<compile_context>
chip_gen: v7x
topology: tpu7x:2x2x1
jax: 0.10.2.dev20260603
libtpu: 0.0.44.dev20260713+nightly
codegen_flags: <defaults>
</compile_context>

<pallas_src>
import functools

import jax
import jax.numpy as jnp
from jax import lax
from jax.experimental import pallas as pl
from jax.experimental.pallas import tpu as pltpu
from jax.experimental.pallas import tpu_sc as plsc

V = 100000
D = 128
L_SEQ = 200
B = 4096
_INV_L = 1.0 / L_SEQ

_QROWS = 128
_PBLK = _QROWS * D
_GRID = (V + _PBLK - 1) // _PBLK
_QPROWS = _QROWS // 2
_QP_TOTAL = _GRID * _QPROWS


def _rne_bf16_bits(q):
    u = lax.bitcast_convert_type(q, jnp.uint32)
    lsb = (u >> 16) & jnp.uint32(1)
    return (u + jnp.uint32(0x7FFF) + lsb) >> 16


def _proj_body(b_ref, t_ref, w_ref, qp_ref):
    t = t_ref[...]
    w = w_ref[...]
    s = (t * w).reshape(_QROWS, D, D)
    q = jnp.sum(s, axis=2) * _INV_L + b_ref[0] * _INV_L
    q3 = q.reshape(_QPROWS, 2, D)
    lo = _rne_bf16_bits(q3[:, 0, :])
    hi = _rne_bf16_bits(q3[:, 1, :])
    qp_ref[...] = lo | (hi << 16)


def _project_table(table, W, b):
    qp = pl.pallas_call(
        _proj_body,
        grid=(_GRID,),
        in_specs=[
            pl.BlockSpec(memory_space=pltpu.SMEM),
            pl.BlockSpec((_PBLK, D), lambda i: (i, 0)),
            pl.BlockSpec((1, D), lambda i: (0, 0)),
        ],
        out_specs=pl.BlockSpec((_QPROWS, D), lambda i: (i, 0)),
        out_shape=jax.ShapeDtypeStruct((_QP_TOTAL, D), jnp.uint32),
    )(b, table, W)
    return qp.reshape(_QP_TOTAL * D)


_NC, _NS = 2, 16
_NW = _NC * _NS
_BPW = B // _NW
_G = _BPW // 16
_QPW = _QP_TOTAL * D


@functools.cache
def _sc_gather_sum_fn():
    mesh = plsc.VectorSubcoreMesh(core_axis_name="c", subcore_axis_name="s")

    @functools.partial(
        pl.kernel,
        mesh=mesh,
        compiler_params=pltpu.CompilerParams(needs_layout_passes=False),
        out_type=jax.ShapeDtypeStruct((B,), jnp.float32),
        scratch_types=[
            pltpu.VMEM((_QPW,), jnp.int32),
            pltpu.VMEM((L_SEQ, _BPW), jnp.int32),
            pltpu.VMEM((_BPW,), jnp.float32),
            pltpu.SemaphoreType.DMA,
            pltpu.SemaphoreType.DMA,
            pltpu.SemaphoreType.DMA,
            pltpu.SemaphoreType.DMA,
        ],
    )
    def _sc_gather_sum(qp_hbm, x_hbm, out_hbm, q_v, x_v, acc_v,
                       sq0, sq1, sx0, sx1):
        wid = lax.axis_index("s") * _NC + lax.axis_index("c")
        base = wid * _BPW
        qw = _QPW // 2
        copies = []
        for k, sem in enumerate((sq0, sq1)):
            copies.append(pltpu.async_copy(
                qp_hbm.at[pl.ds(k * qw, qw)], q_v.at[pl.ds(k * qw, qw)], sem))
        for r0, nr, sem in ((0, 104, sx0), (104, 96, sx1)):
            copies.append(pltpu.async_copy(
                x_hbm.at[pl.ds(r0, nr), pl.ds(base, _BPW)],
                x_v.at[pl.ds(r0, nr), :], sem))
        for c in copies:
            c.wait()

        def body(l, accs):
            new = []
            for g in range(_G):
                v = x_v[l, pl.ds(g * 16, 16)]
                wi = ((v >> 1) & jnp.int32(-128)) | (v & 127)
                word = plsc.load_gather(q_v, [wi])
                shift = (v >> 3) & 16
                bits = lax.shift_right_logical(word, shift) << 16
                val = plsc.bitcast(bits, jnp.float32)
                new.append(accs[g] + val)
            return tuple(new)

        accs = lax.fori_loop(
            0, L_SEQ, body,
            tuple(jnp.zeros((16,), jnp.float32) for _ in range(_G)))
        for g in range(_G):
            acc_v[pl.ds(g * 16, 16)] = accs[g]
        pltpu.sync_copy(acc_v, out_hbm.at[pl.ds(base, _BPW)])

    return _sc_gather_sum


def kernel(x, lens, table, W, b):
    del lens
    qp = _project_table(table, W, b)
    return _sc_gather_sum_fn()(qp, x)

# --- scband reference (transcript-rebuilt; emitter-appended) ---
"""Pipeline reference for scband-baseline-850403524964 (READ-ONLY COPY).

The authoritative reference and input builder live on the scoring server;
editing this copy changes nothing except your own understanding.
"""

import jax, jax.numpy as jnp
import numpy as np

VOCAB = 100000
EMBED_DIM = 128
SEQ_LEN = 200
BATCH = 4096

def setup_inputs(seed: int = 0) -> dict:
    key = jax.random.key(seed)
    k1, k2, k3, k4, k5 = jax.random.split(key, 5)
    x = jax.random.randint(k1, (SEQ_LEN, BATCH), 0, VOCAB, dtype=jnp.int64 if jax.config.jax_enable_x64 else jnp.int32)
    lens = jax.random.randint(k2, (BATCH,), 0, SEQ_LEN, dtype=jnp.int64 if jax.config.jax_enable_x64 else jnp.int32)
    table = jax.random.normal(k3, (VOCAB, EMBED_DIM), dtype=jnp.float32)
    # nn.Linear(embedding_dim, 1): weight [1, embedding_dim], bias [1]
    bound = 1.0 / np.sqrt(EMBED_DIM)
    W = jax.random.uniform(k4, (1, EMBED_DIM), dtype=jnp.float32, minval=-bound, maxval=bound)
    b = jax.random.uniform(k5, (1,), dtype=jnp.float32, minval=-bound, maxval=bound)
    return {"x": x, "lens": lens, "table": table, "W": W, "b": b}

def reference(x, lens, table, W, b):
    # embedding lookup: [L, B] -> [L, B, D]
    embedded = jnp.take(table, x, axis=0)
    # mean over sequence dim 0 -> [B, D]
    average = embedded.mean(axis=0)
    # fc: [B, D] @ [D, 1] + b -> [B, 1] -> squeeze(1) -> [B]
    output = (average @ W.T + b).squeeze(1)
    return output

if __name__ == "__main__":
    import jax
    _d = setup_inputs()
    print(jax.jit(kernel)(*tuple(_d.values())))

</pallas_src>

<mosaic_0001>
#map = affine_map<(d0, d1) -> (0)>
#map1 = affine_map<(d0, d1) -> (0, 0)>
module attributes {stable_mosaic.version = 14 : i64} {
  func.func @_sc_gather_sum(%arg0: i32, %arg1: i32, %arg2: memref<57344xi32, #tpu.memory_space<hbm>>, %arg3: memref<200x4096xi32, #tpu.memory_space<hbm>>, %arg4: memref<4096xf32, #tpu.memory_space<hbm>>, %arg5: memref<57344xi32, #tpu.memory_space<vmem>>, %arg6: memref<200x128xi32, #tpu.memory_space<vmem>>, %arg7: memref<128xf32, #tpu.memory_space<vmem>>, %arg8: memref<!tpu.dma_semaphore, #tpu.memory_space<semaphore_mem>>, %arg9: memref<!tpu.dma_semaphore, #tpu.memory_space<semaphore_mem>>, %arg10: memref<!tpu.dma_semaphore, #tpu.memory_space<semaphore_mem>>, %arg11: memref<!tpu.dma_semaphore, #tpu.memory_space<semaphore_mem>>) attributes {dimension_semantics = [#tpu.dimension_semantics<core_parallel>, #tpu.dimension_semantics<subcore_parallel>], iteration_bounds = array<i64: 2, 16>, scalar_prefetch = 0 : i64, scratch_operands = 7 : i64, tpu.core_type = #tpu.core_type<sc_vector_subcore>, window_params = [{transform_indices = #map}, {transform_indices = #map1}, {transform_indices = #map}]} {
    %mul3A = arith.constant 2 : i32
    %mul3A_0 = arith.muli %arg1, %mul3A : i32
    %add3A = arith.addi %mul3A_0, %arg0 : i32
    %mul3A_1 = arith.constant 128 : i32
    %mul3A_2 = arith.muli %add3A, %mul3A_1 : i32
    %dma_start3A = arith.constant 0 : i32
    %dma_start3A_3 = tpu.memref_slice %arg5[%dma_start3A] : memref<57344xi32, #tpu.memory_space<vmem>> -> memref<28672xi32, #tpu.memory_space<vmem>>
    %dma_start3A_4 = arith.constant 0 : i32
    %dma_start3A_5 = tpu.memref_slice %arg2[%dma_start3A_4] : memref<57344xi32, #tpu.memory_space<hbm>> -> memref<28672xi32, #tpu.memory_space<hbm>>
    %dma_start3A_6 = arith.constant 0 : i32
    %dma_start3A_7 = tpu.memref_slice %arg5[%dma_start3A_6] : memref<57344xi32, #tpu.memory_space<vmem>> -> memref<28672xi32, #tpu.memory_space<vmem>>
    %dma_start3A_8 = arith.constant 0 : i32
    %dma_start3A_9 = tpu.memref_slice %arg2[%dma_start3A_8] : memref<57344xi32, #tpu.memory_space<hbm>> -> memref<28672xi32, #tpu.memory_space<hbm>>
    tpu.enqueue_dma source(%dma_start3A_9 : memref<28672xi32, #tpu.memory_space<hbm>>) target(%dma_start3A_7 : memref<28672xi32, #tpu.memory_space<vmem>>) target_semaphore(%arg8 : memref<!tpu.dma_semaphore, #tpu.memory_space<semaphore_mem>>)
    %dma_start3A_10 = arith.constant 28672 : i32
    %dma_start3A_11 = tpu.memref_slice %arg5[%dma_start3A_10] : memref<57344xi32, #tpu.memory_space<vmem>> -> memref<28672xi32, #tpu.memory_space<vmem>>
    %dma_start3A_12 = arith.constant 28672 : i32
    %dma_start3A_13 = tpu.memref_slice %arg2[%dma_start3A_12] : memref<57344xi32, #tpu.memory_space<hbm>> -> memref<28672xi32, #tpu.memory_space<hbm>>
    %dma_start3A_14 = arith.constant 28672 : i32
    %dma_start3A_15 = tpu.memref_slice %arg5[%dma_start3A_14] : memref<57344xi32, #tpu.memory_space<vmem>> -> memref<28672xi32, #tpu.memory_space<vmem>>
    %dma_start3A_16 = arith.constant 28672 : i32
    %dma_start3A_17 = tpu.memref_slice %arg2[%dma_start3A_16] : memref<57344xi32, #tpu.memory_space<hbm>> -> memref<28672xi32, #tpu.memory_space<hbm>>
    tpu.enqueue_dma source(%dma_start3A_17 : memref<28672xi32, #tpu.memory_space<hbm>>) target(%dma_start3A_15 : memref<28672xi32, #tpu.memory_space<vmem>>) target_semaphore(%arg9 : memref<!tpu.dma_semaphore, #tpu.memory_space<semaphore_mem>>)
    %dma_start3A_18 = arith.constant 0 : i32
    %dma_start3A_19 = arith.constant 0 : i32
    %dma_start3A_20 = tpu.memref_slice %arg6[%dma_start3A_18, %dma_start3A_19] : memref<200x128xi32, #tpu.memory_space<vmem>> -> memref<104x128xi32, #tpu.memory_space<vmem>>
    %dma_start3A_21 = arith.constant 0 : i32
    %dma_start3A_22 = tpu.memref_slice %arg3[%dma_start3A_21, %mul3A_2] : memref<200x4096xi32, #tpu.memory_space<hbm>> -> memref<104x128xi32, #tpu.memory_space<hbm>>
    %dma_start3A_23 = arith.constant 0 : i32
    %dma_start3A_24 = arith.constant 0 : i32
    %dma_start3A_25 = tpu.memref_slice %arg6[%dma_start3A_23, %dma_start3A_24] : memref<200x128xi32, #tpu.memory_space<vmem>> -> memref<104x128xi32, #tpu.memory_space<vmem>>
    %dma_start3A_26 = arith.constant 0 : i32
    %dma_start3A_27 = tpu.memref_slice %arg3[%dma_start3A_26, %mul3A_2] : memref<200x4096xi32, #tpu.memory_space<hbm>> -> memref<104x128xi32, #tpu.memory_space<hbm>>
    tpu.enqueue_dma source(%dma_start3A_27 : memref<104x128xi32, #tpu.memory_space<hbm>>) target(%dma_start3A_25 : memref<104x128xi32, #tpu.memory_space<vmem>>) target_semaphore(%arg10 : memref<!tpu.dma_semaphore, #tpu.memory_space<semaphore_mem>>)
    %dma_start3A_28 = arith.constant 104 : i32
    %dma_start3A_29 = arith.constant 0 : i32
    %dma_start3A_30 = tpu.memref_slice %arg6[%dma_start3A_28, %dma_start3A_29] : memref<200x128xi32, #tpu.memory_space<vmem>> -> memref<96x128xi32, #tpu.memory_space<vmem>>
    %dma_start3A_31 = arith.constant 104 : i32
    %dma_start3A_32 = tpu.memref_slice %arg3[%dma_start3A_31, %mul3A_2] : memref<200x4096xi32, #tpu.memory_space<hbm>> -> memref<96x128xi32, #tpu.memory_space<hbm>>
    %dma_start3A_33 = arith.constant 104 : i32
    %dma_start3A_34 = arith.constant 0 : i32
    %dma_start3A_35 = tpu.memref_slice %arg6[%dma_start3A_33, %dma_start3A_34] : memref<200x128xi32, #tpu.memory_space<vmem>> -> memref<96x128xi32, #tpu.memory_space<vmem>>
    %dma_start3A_36 = arith.constant 104 : i32
    %dma_start3A_37 = tpu.memref_slice %arg3[%dma_start3A_36, %mul3A_2] : memref<200x4096xi32, #tpu.memory_space<hbm>> -> memref<96x128xi32, #tpu.memory_space<hbm>>
    tpu.enqueue_dma source(%dma_start3A_37 : memref<96x128xi32, #tpu.memory_space<hbm>>) target(%dma_start3A_35 : memref<96x128xi32, #tpu.memory_space<vmem>>) target_semaphore(%arg11 : memref<!tpu.dma_semaphore, #tpu.memory_space<semaphore_mem>>)
    %dma_wait3A = arith.constant 0 : i32
    %dma_wait3A_38 = tpu.memref_slice %arg5[%dma_wait3A] : memref<57344xi32, #tpu.memory_space<vmem>> -> memref<28672xi32, #tpu.memory_space<vmem>>
    %dma_wait3A_39 = arith.constant 0 : i32
    %dma_wait3A_40 = tpu.memref_slice %arg2[%dma_wait3A_39] : memref<57344xi32, #tpu.memory_space<hbm>> -> memref<28672xi32, #tpu.memory_space<hbm>>
    %dma_wait3A_41 = arith.constant 0 : i32
    %dma_wait3A_42 = tpu.memref_slice %arg5[%dma_wait3A_41] : memref<57344xi32, #tpu.memory_space<vmem>> -> memref<28672xi32, #tpu.memory_space<vmem>>
    %dma_wait3A_43 = arith.constant 0 : i32
    %dma_wait3A_44 = tpu.memref_slice %arg2[%dma_wait3A_43] : memref<57344xi32, #tpu.memory_space<hbm>> -> memref<28672xi32, #tpu.memory_space<hbm>>
    tpu.wait_dma2 semaphore(%arg8 : memref<!tpu.dma_semaphore, #tpu.memory_space<semaphore_mem>>) src(%dma_wait3A_44 : memref<28672xi32, #tpu.memory_space<hbm>>) dst(%dma_wait3A_42 : memref<28672xi32, #tpu.memory_space<vmem>>)
    %dma_wait3A_45 = arith.constant 28672 : i32
    %dma_wait3A_46 = tpu.memref_slice %arg5[%dma_wait3A_45] : memref<57344xi32, #tpu.memory_space<vmem>> -> memref<28672xi32, #tpu.memory_space<vmem>>
    %dma_wait3A_47 = arith.constant 28672 : i32
    %dma_wait3A_48 = tpu.memref_slice %arg2[%dma_wait3A_47] : memref<57344xi32, #tpu.memory_space<hbm>> -> memref<28672xi32, #tpu.memory_space<hbm>>
    %dma_wait3A_49 = arith.constant 28672 : i32
    %dma_wait3A_50 = tpu.memref_slice %arg5[%dma_wait3A_49] : memref<57344xi32, #tpu.memory_space<vmem>> -> memref<28672xi32, #tpu.memory_space<vmem>>
    %dma_wait3A_51 = arith.constant 28672 : i32
    %dma_wait3A_52 = tpu.memref_slice %arg2[%dma_wait3A_51] : memref<57344xi32, #tpu.memory_space<hbm>> -> memref<28672xi32, #tpu.memory_space<hbm>>
    tpu.wait_dma2 semaphore(%arg9 : memref<!tpu.dma_semaphore, #tpu.memory_space<semaphore_mem>>) src(%dma_wait3A_52 : memref<28672xi32, #tpu.memory_space<hbm>>) dst(%dma_wait3A_50 : memref<28672xi32, #tpu.memory_space<vmem>>)
    %dma_wait3A_53 = arith.constant 0 : i32
    %dma_wait3A_54 = arith.constant 0 : i32
    %dma_wait3A_55 = tpu.memref_slice %arg6[%dma_wait3A_53, %dma_wait3A_54] : memref<200x128xi32, #tpu.memory_space<vmem>> -> memref<104x128xi32, #tpu.memory_space<vmem>>
    %dma_wait3A_56 = arith.constant 0 : i32
    %dma_wait3A_57 = tpu.memref_slice %arg3[%dma_wait3A_56, %mul3A_2] : memref<200x4096xi32, #tpu.memory_space<hbm>> -> memref<104x128xi32, #tpu.memory_space<hbm>>
    %dma_wait3A_58 = arith.constant 0 : i32
    %dma_wait3A_59 = arith.constant 0 : i32
    %dma_wait3A_60 = tpu.memref_slice %arg6[%dma_wait3A_58, %dma_wait3A_59] : memref<200x128xi32, #tpu.memory_space<vmem>> -> memref<104x128xi32, #tpu.memory_space<vmem>>
    %dma_wait3A_61 = arith.constant 0 : i32
    %dma_wait3A_62 = tpu.memref_slice %arg3[%dma_wait3A_61, %mul3A_2] : memref<200x4096xi32, #tpu.memory_space<hbm>> -> memref<104x128xi32, #tpu.memory_space<hbm>>
    tpu.wait_dma2 semaphore(%arg10 : memref<!tpu.dma_semaphore, #tpu.memory_space<semaphore_mem>>) src(%dma_wait3A_62 : memref<104x128xi32, #tpu.memory_space<hbm>>) dst(%dma_wait3A_60 : memref<104x128xi32, #tpu.memory_space<vmem>>)
    %dma_wait3A_63 = arith.constant 104 : i32
    %dma_wait3A_64 = arith.constant 0 : i32
    %dma_wait3A_65 = tpu.memref_slice %arg6[%dma_wait3A_63, %dma_wait3A_64] : memref<200x128xi32, #tpu.memory_space<vmem>> -> memref<96x128xi32, #tpu.memory_space<vmem>>
    %dma_wait3A_66 = arith.constant 104 : i32
    %dma_wait3A_67 = tpu.memref_slice %arg3[%dma_wait3A_66, %mul3A_2] : memref<200x4096xi32, #tpu.memory_space<hbm>> -> memref<96x128xi32, #tpu.memory_space<hbm>>
    %dma_wait3A_68 = arith.constant 104 : i32
    %dma_wait3A_69 = arith.constant 0 : i32
    %dma_wait3A_70 = tpu.memref_slice %arg6[%dma_wait3A_68, %dma_wait3A_69] : memref<200x128xi32, #tpu.memory_space<vmem>> -> memref<96x128xi32, #tpu.memory_space<vmem>>
    %dma_wait3A_71 = arith.constant 104 : i32
    %dma_wait3A_72 = tpu.memref_slice %arg3[%dma_wait3A_71, %mul3A_2] : memref<200x4096xi32, #tpu.memory_space<hbm>> -> memref<96x128xi32, #tpu.memory_space<hbm>>
    tpu.wait_dma2 semaphore(%arg11 : memref<!tpu.dma_semaphore, #tpu.memory_space<semaphore_mem>>) src(%dma_wait3A_72 : memref<96x128xi32, #tpu.memory_space<hbm>>) dst(%dma_wait3A_70 : memref<96x128xi32, #tpu.memory_space<vmem>>)
    %broadcast_in_dim3A = arith.constant 0.000000e+00 : f32
    %broadcast_in_dim3A_73 = vector.broadcast %broadcast_in_dim3A : f32 to vector<16xf32>
    %broadcast_in_dim3A_74 = arith.constant 0.000000e+00 : f32
    %broadcast_in_dim3A_75 = vector.broadcast %broadcast_in_dim3A_74 : f32 to vector<16xf32>
    %broadcast_in_dim3A_76 = arith.constant 0.000000e+00 : f32
    %broadcast_in_dim3A_77 = vector.broadcast %broadcast_in_dim3A_76 : f32 to vector<16xf32>
    %broadcast_in_dim3A_78 = arith.constant 0.000000e+00 : f32
    %broadcast_in_dim3A_79 = vector.broadcast %broadcast_in_dim3A_78 : f32 to vector<16xf32>
    %broadcast_in_dim3A_80 = arith.constant 0.000000e+00 : f32
    %broadcast_in_dim3A_81 = vector.broadcast %broadcast_in_dim3A_80 : f32 to vector<16xf32>
    %broadcast_in_dim3A_82 = arith.constant 0.000000e+00 : f32
    %broadcast_in_dim3A_83 = vector.broadcast %broadcast_in_dim3A_82 : f32 to vector<16xf32>
    %broadcast_in_dim3A_84 = arith.constant 0.000000e+00 : f32
    %broadcast_in_dim3A_85 = vector.broadcast %broadcast_in_dim3A_84 : f32 to vector<16xf32>
    %broadcast_in_dim3A_86 = arith.constant 0.000000e+00 : f32
    %broadcast_in_dim3A_87 = vector.broadcast %broadcast_in_dim3A_86 : f32 to vector<16xf32>
    %scan3A = arith.constant 0 : i32
    %scan3A_88 = arith.constant 200 : i32
    %scan3A_89 = arith.addi %scan3A, %scan3A_88 : i32
    %scan3A_90 = arith.constant 1 : i32
    %scan3A_91:8 = scf.for %scan3A_108 = %scan3A to %scan3A_89 step %scan3A_90 iter_args(%scan3A_109 = %broadcast_in_dim3A_73, %scan3A_110 = %broadcast_in_dim3A_75, %scan3A_111 = %broadcast_in_dim3A_77, %scan3A_112 = %broadcast_in_dim3A_79, %scan3A_113 = %broadcast_in_dim3A_81, %scan3A_114 = %broadcast_in_dim3A_83, %scan3A_115 = %broadcast_in_dim3A_85, %scan3A_116 = %broadcast_in_dim3A_87) -> (vector<16xf32>, vector<16xf32>, vector<16xf32>, vector<16xf32>, vector<16xf32>, vector<16xf32>, vector<16xf32>, vector<16xf32>)  : i32 {
      %get3A = arith.index_cast %scan3A_108 : i32 to index
      %get3A_117 = arith.constant 0 : index
      %get3A_118 = tpu.vector_load %arg6[%get3A, %get3A_117] {strides = array<i32>} : memref<200x128xi32, #tpu.memory_space<vmem>>, vector<16xi32>,
      %shift_right_arithmetic3A = arith.constant 1 : i32
      %shift_right_arithmetic3A_119 = vector.broadcast %shift_right_arithmetic3A : i32 to vector<16xi32>
      %shift_right_arithmetic3A_120 = arith.shrsi %get3A_118, %shift_right_arithmetic3A_119 : vector<16xi32>
      %and3A = arith.constant -128 : i32
      %and3A_121 = vector.broadcast %and3A : i32 to vector<16xi32>
      %and3A_122 = arith.andi %shift_right_arithmetic3A_120, %and3A_121 : vector<16xi32>
      %and3A_123 = arith.constant 127 : i32
      %and3A_124 = vector.broadcast %and3A_123 : i32 to vector<16xi32>
      %and3A_125 = arith.andi %get3A_118, %and3A_124 : vector<16xi32>
      %or3A = arith.ori %and3A_122, %and3A_125 : vector<16xi32>
      %gather3A = tpu.vector_load_idx %arg5[%or3A] : memref<57344xi32, #tpu.memory_space<vmem>>[vector<16xi32>], vector<16xi32>,
      %shift_right_arithmetic3A_126 = arith.constant 3 : i32
      %shift_right_arithmetic3A_127 = vector.broadcast %shift_right_arithmetic3A_126 : i32 to vector<16xi32>
      %shift_right_arithmetic3A_128 = arith.shrsi %get3A_118, %shift_right_arithmetic3A_127 : vector<16xi32>
      %and3A_129 = arith.constant 16 : i32
      %and3A_130 = vector.broadcast %and3A_129 : i32 to vector<16xi32>
      %and3A_131 = arith.andi %shift_right_arithmetic3A_128, %and3A_130 : vector<16xi32>
      %shift_right_logical3A = arith.shrui %gather3A, %and3A_131 : vector<16xi32>
      %shift_left3A = arith.constant 16 : i32
      %shift_left3A_132 = vector.broadcast %shift_left3A : i32 to vector<16xi32>
      %shift_left3A_133 = arith.shli %shift_right_logical3A, %shift_left3A_132 : vector<16xi32>
      %bitcast3A = vector.bitcast %shift_left3A_133 : vector<16xi32> to vector<16xf32>
      %add3A_134 = arith.addf %scan3A_109, %bitcast3A : vector<16xf32>
      %get3A_135 = arith.index_cast %scan3A_108 : i32 to index
      %get3A_136 = arith.constant 16 : index
      %get3A_137 = tpu.vector_load %arg6[%get3A_135, %get3A_136] {strides = array<i32>} : memref<200x128xi32, #tpu.memory_space<vmem>>, vector<16xi32>,
      %shift_right_arithmetic3A_138 = arith.constant 1 : i32
      %shift_right_arithmetic3A_139 = vector.broadcast %shift_right_arithmetic3A_138 : i32 to vector<16xi32>
      %shift_right_arithmetic3A_140 = arith.shrsi %get3A_137, %shift_right_arithmetic3A_139 : vector<16xi32>
      %and3A_141 = arith.constant -128 : i32
      %and3A_142 = vector.broadcast %and3A_141 : i32 to vector<16xi32>
      %and3A_143 = arith.andi %shift_right_arithmetic3A_140, %and3A_142 : vector<16xi32>
      %and3A_144 = arith.constant 127 : i32
      %and3A_145 = vector.broadcast %and3A_144 : i32 to vector<16xi32>
      %and3A_146 = arith.andi %get3A_137, %and3A_145 : vector<16xi32>
      %or3A_147 = arith.ori %and3A_143, %and3A_146 : vector<16xi32>
      %gather3A_148 = tpu.vector_load_idx %arg5[%or3A_147] : memref<57344xi32, #tpu.memory_space<vmem>>[vector<16xi32>], vector<16xi32>,
      %shift_right_arithmetic3A_149 = arith.constant 3 : i32
      %shift_right_arithmetic3A_150 = vector.broadcast %shift_right_arithmetic3A_149 : i32 to vector<16xi32>
      %shift_right_arithmetic3A_151 = arith.shrsi %get3A_137, %shift_right_arithmetic3A_150 : vector<16xi32>
      %and3A_152 = arith.constant 16 : i32
      %and3A_153 = vector.broadcast %and3A_152 : i32 to vector<16xi32>
      %and3A_154 = arith.andi %shift_right_arithmetic3A_151, %and3A_153 : vector<16xi32>
      %shift_right_logical3A_155 = arith.shrui %gather3A_148, %and3A_154 : vector<16xi32>
      %shift_left3A_156 = arith.constant 16 : i32
      %shift_left3A_157 = vector.broadcast %shift_left3A_156 : i32 to vector<16xi32>
      %shift_left3A_158 = arith.shli %shift_right_logical3A_155, %shift_left3A_157 : vector<16xi32>
      %bitcast3A_159 = vector.bitcast %shift_left3A_158 : vector<16xi32> to vector<16xf32>
      %add3A_160 = arith.addf %scan3A_110, %bitcast3A_159 : vector<16xf32>
      %get3A_161 = arith.index_cast %scan3A_108 : i32 to index
      %get3A_162 = arith.constant 32 : index
      %get3A_163 = tpu.vector_load %arg6[%get3A_161, %get3A_162] {strides = array<i32>} : memref<200x128xi32, #tpu.memory_space<vmem>>, vector<16xi32>,
      %shift_right_arithmetic3A_164 = arith.constant 1 : i32
      %shift_right_arithmetic3A_165 = vector.broadcast %shift_right_arithmetic3A_164 : i32 to vector<16xi32>
      %shift_right_arithmetic3A_166 = arith.shrsi %get3A_163, %shift_right_arithmetic3A_165 : vector<16xi32>
      %and3A_167 = arith.constant -128 : i32
      %and3A_168 = vector.broadcast %and3A_167 : i32 to vector<16xi32>
      %and3A_169 = arith.andi %shift_right_arithmetic3A_166, %and3A_168 : vector<16xi32>
      %and3A_170 = arith.constant 127 : i32
      %and3A_171 = vector.broadcast %and3A_170 : i32 to vector<16xi32>
      %and3A_172 = arith.andi %get3A_163, %and3A_171 : vector<16xi32>
      %or3A_173 = arith.ori %and3A_169, %and3A_172 : vector<16xi32>
      %gather3A_174 = tpu.vector_load_idx %arg5[%or3A_173] : memref<57344xi32, #tpu.memory_space<vmem>>[vector<16xi32>], vector<16xi32>,
      %shift_right_arithmetic3A_175 = arith.constant 3 : i32
      %shift_right_arithmetic3A_176 = vector.broadcast %shift_right_arithmetic3A_175 : i32 to vector<16xi32>
      %shift_right_arithmetic3A_177 = arith.shrsi %get3A_163, %shift_right_arithmetic3A_176 : vector<16xi32>
      %and3A_178 = arith.constant 16 : i32
      %and3A_179 = vector.broadcast %and3A_178 : i32 to vector<16xi32>
      %and3A_180 = arith.andi %shift_right_arithmetic3A_177, %and3A_179 : vector<16xi32>
      %shift_right_logical3A_181 = arith.shrui %gather3A_174, %and3A_180 : vector<16xi32>
      %shift_left3A_182 = arith.constant 16 : i32
      %shift_left3A_183 = vector.broadcast %shift_left3A_182 : i32 to vector<16xi32>
      %shift_left3A_184 = arith.shli %shift_right_logical3A_181, %shift_left3A_183 : vector<16xi32>
      %bitcast3A_185 = vector.bitcast %shift_left3A_184 : vector<16xi32> to vector<16xf32>
      %add3A_186 = arith.addf %scan3A_111, %bitcast3A_185 : vector<16xf32>
      %get3A_187 = arith.index_cast %scan3A_108 : i32 to index
      %get3A_188 = arith.constant 48 : index
      %get3A_189 = tpu.vector_load %arg6[%get3A_187, %get3A_188] {strides = array<i32>} : memref<200x128xi32, #tpu.memory_space<vmem>>, vector<16xi32>,
      %shift_right_arithmetic3A_190 = arith.constant 1 : i32
      %shift_right_arithmetic3A_191 = vector.broadcast %shift_right_arithmetic3A_190 : i32 to vector<16xi32>
      %shift_right_arithmetic3A_192 = arith.shrsi %get3A_189, %shift_right_arithmetic3A_191 : vector<16xi32>
      %and3A_193 = arith.constant -128 : i32
      %and3A_194 = vector.broadcast %and3A_193 : i32 to vector<16xi32>
      %and3A_195 = arith.andi %shift_right_arithmetic3A_192, %and3A_194 : vector<16xi32>
      %and3A_196 = arith.constant 127 : i32
      %and3A_197 = vector.broadcast %and3A_196 : i32 to vector<16xi32>
      %and3A_198 = arith.andi %get3A_189, %and3A_197 : vector<16xi32>
      %or3A_199 = arith.ori %and3A_195, %and3A_198 : vector<16xi32>
      %gather3A_200 = tpu.vector_load_idx %arg5[%or3A_199] : memref<57344xi32, #tpu.memory_space<vmem>>[vector<16xi32>], vector<16xi32>,
      %shift_right_arithmetic3A_201 = arith.constant 3 : i32
      %shift_right_arithmetic3A_202 = vector.broadcast %shift_right_arithmetic3A_201 : i32 to vector<16xi32>
      %shift_right_arithmetic3A_203 = arith.shrsi %get3A_189, %shift_right_arithmetic3A_202 : vector<16xi32>
      %and3A_204 = arith.constant 16 : i32
      %and3A_205 = vector.broadcast %and3A_204 : i32 to vector<16xi32>
      %and3A_206 = arith.andi %shift_right_arithmetic3A_203, %and3A_205 : vector<16xi32>
      %shift_right_logical3A_207 = arith.shrui %gather3A_200, %and3A_206 : vector<16xi32>
      %shift_left3A_208 = arith.constant 16 : i32
      %shift_left3A_209 = vector.broadcast %shift_left3A_208 : i32 to vector<16xi32>
      %shift_left3A_210 = arith.shli %shift_right_logical3A_207, %shift_left3A_209 : vector<16xi32>
      %bitcast3A_211 = vector.bitcast %shift_left3A_210 : vector<16xi32> to vector<16xf32>
      %add3A_212 = arith.addf %scan3A_112, %bitcast3A_211 : vector<16xf32>
      %get3A_213 = arith.index_cast %scan3A_108 : i32 to index
      %get3A_214 = arith.constant 64 : index
      %get3A_215 = tpu.vector_load %arg6[%get3A_213, %get3A_214] {strides = array<i32>} : memref<200x128xi32, #tpu.memory_space<vmem>>, vector<16xi32>,
      %shift_right_arithmetic3A_216 = arith.constant 1 : i32
      %shift_right_arithmetic3A_217 = vector.broadcast %shift_right_arithmetic3A_216 : i32 to vector<16xi32>
      %shift_right_arithmetic3A_218 = arith.shrsi %get3A_215, %shift_right_arithmetic3A_217 : vector<16xi32>
      %and3A_219 = arith.constant -128 : i32
      %and3A_220 = vector.broadcast %and3A_219 : i32 to vector<16xi32>
      %and3A_221 = arith.andi %shift_right_arithmetic3A_218, %and3A_220 : vector<16xi32>
      %and3A_222 = arith.constant 127 : i32
      %and3A_223 = vector.broadcast %and3A_222 : i32 to vector<16xi32>
      %and3A_224 = arith.andi %get3A_215, %and3A_223 : vector<16xi32>
      %or3A_225 = arith.ori %and3A_221, %and3A_224 : vector<16xi32>
      %gather3A_226 = tpu.vector_load_idx %arg5[%or3A_225] : memref<57344xi32, #tpu.memory_space<vmem>>[vector<16xi32>], vector<16xi32>,
      %shift_right_arithmetic3A_227 = arith.constant 3 : i32
      %shift_right_arithmetic3A_228 = vector.broadcast %shift_right_arithmetic3A_227 : i32 to vector<16xi32>
      %shift_right_arithmetic3A_229 = arith.shrsi %get3A_215, %shift_right_arithmetic3A_228 : vector<16xi32>
      %and3A_230 = arith.constant 16 : i32
      %and3A_231 = vector.broadcast %and3A_230 : i32 to vector<16xi32>
      %and3A_232 = arith.andi %shift_right_arithmetic3A_229, %and3A_231 : vector<16xi32>
      %shift_right_logical3A_233 = arith.shrui %gather3A_226, %and3A_232 : vector<16xi32>
      %shift_left3A_234 = arith.constant 16 : i32
      %shift_left3A_235 = vector.broadcast %shift_left3A_234 : i32 to vector<16xi32>
      %shift_left3A_236 = arith.shli %shift_right_logical3A_233, %shift_left3A_235 : vector<16xi32>
      %bitcast3A_237 = vector.bitcast %shift_left3A_236 : vector<16xi32> to vector<16xf32>
      %add3A_238 = arith.addf %scan3A_113, %bitcast3A_237 : vector<16xf32>
      %get3A_239 = arith.index_cast %scan3A_108 : i32 to index
      %get3A_240 = arith.constant 80 : index
      %get3A_241 = tpu.vector_load %arg6[%get3A_239, %get3A_240] {strides = array<i32>} : memref<200x128xi32, #tpu.memory_space<vmem>>, vector<16xi32>,
      %shift_right_arithmetic3A_242 = arith.constant 1 : i32
      %shift_right_arithmetic3A_243 = vector.broadcast %shift_right_arithmetic3A_242 : i32 to vector<16xi32>
      %shift_right_arithmetic3A_244 = arith.shrsi %get3A_241, %shift_right_arithmetic3A_243 : vector<16xi32>
      %and3A_245 = arith.constant -128 : i32
      %and3A_246 = vector.broadcast %and3A_245 : i32 to vector<16xi32>
      %and3A_247 = arith.andi %shift_right_arithmetic3A_244, %and3A_246 : vector<16xi32>
      %and3A_248 = arith.constant 127 : i32
      %and3A_249 = vector.broadcast %and3A_248 : i32 to vector<16xi32>
      %and3A_250 = arith.andi %get3A_241, %and3A_249 : vector<16xi32>
      %or3A_251 = arith.ori %and3A_247, %and3A_250 : vector<16xi32>
      %gather3A_252 = tpu.vector_load_idx %arg5[%or3A_251] : memref<57344xi32, #tpu.memory_space<vmem>>[vector<16xi32>], vector<16xi32>,
      %shift_right_arithmetic3A_253 = arith.constant 3 : i32
      %shift_right_arithmetic3A_254 = vector.broadcast %shift_right_arithmetic3A_253 : i32 to vector<16xi32>
      %shift_right_arithmetic3A_255 = arith.shrsi %get3A_241, %shift_right_arithmetic3A_254 : vector<16xi32>
      %and3A_256 = arith.constant 16 : i32
      %and3A_257 = vector.broadcast %and3A_256 : i32 to vector<16xi32>
      %and3A_258 = arith.andi %shift_right_arithmetic3A_255, %and3A_257 : vector<16xi32>
      %shift_right_logical3A_259 = arith.shrui %gather3A_252, %and3A_258 : vector<16xi32>
      %shift_left3A_260 = arith.constant 16 : i32
      %shift_left3A_261 = vector.broadcast %shift_left3A_260 : i32 to vector<16xi32>
      %shift_left3A_262 = arith.shli %shift_right_logical3A_259, %shift_left3A_261 : vector<16xi32>
      %bitcast3A_263 = vector.bitcast %shift_left3A_262 : vector<16xi32> to vector<16xf32>
      %add3A_264 = arith.addf %scan3A_114, %bitcast3A_263 : vector<16xf32>
      %get3A_265 = arith.index_cast %scan3A_108 : i32 to index
      %get3A_266 = arith.constant 96 : index
      %get3A_267 = tpu.vector_load %arg6[%get3A_265, %get3A_266] {strides = array<i32>} : memref<200x128xi32, #tpu.memory_space<vmem>>, vector<16xi32>,
      %shift_right_arithmetic3A_268 = arith.constant 1 : i32
      %shift_right_arithmetic3A_269 = vector.broadcast %shift_right_arithmetic3A_268 : i32 to vector<16xi32>
      %shift_right_arithmetic3A_270 = arith.shrsi %get3A_267, %shift_right_arithmetic3A_269 : vector<16xi32>
      %and3A_271 = arith.constant -128 : i32
      %and3A_272 = vector.broadcast %and3A_271 : i32 to vector<16xi32>
      %and3A_273 = arith.andi %shift_right_arithmetic3A_270, %and3A_272 : vector<16xi32>
      %and3A_274 = arith.constant 127 : i32
      %and3A_275 = vector.broadcast %and3A_274 : i32 to vector<16xi32>
      %and3A_276 = arith.andi %get3A_267, %and3A_275 : vector<16xi32>
      %or3A_277 = arith.ori %and3A_273, %and3A_276 : vector<16xi32>
      %gather3A_278 = tpu.vector_load_idx %arg5[%or3A_277] : memref<57344xi32, #tpu.memory_space<vmem>>[vector<16xi32>], vector<16xi32>,
      %shift_right_arithmetic3A_279 = arith.constant 3 : i32
      %shift_right_arithmetic3A_280 = vector.broadcast %shift_right_arithmetic3A_279 : i32 to vector<16xi32>
      %shift_right_arithmetic3A_281 = arith.shrsi %get3A_267, %shift_right_arithmetic3A_280 : vector<16xi32>
      %and3A_282 = arith.constant 16 : i32
      %and3A_283 = vector.broadcast %and3A_282 : i32 to vector<16xi32>
      %and3A_284 = arith.andi %shift_right_arithmetic3A_281, %and3A_283 : vector<16xi32>
      %shift_right_logical3A_285 = arith.shrui %gather3A_278, %and3A_284 : vector<16xi32>
      %shift_left3A_286 = arith.constant 16 : i32
      %shift_left3A_287 = vector.broadcast %shift_left3A_286 : i32 to vector<16xi32>
      %shift_left3A_288 = arith.shli %shift_right_logical3A_285, %shift_left3A_287 : vector<16xi32>
      %bitcast3A_289 = vector.bitcast %shift_left3A_288 : vector<16xi32> to vector<16xf32>
      %add3A_290 = arith.addf %scan3A_115, %bitcast3A_289 : vector<16xf32>
      %get3A_291 = arith.index_cast %scan3A_108 : i32 to index
      %get3A_292 = arith.constant 112 : index
      %get3A_293 = tpu.vector_load %arg6[%get3A_291, %get3A_292] {strides = array<i32>} : memref<200x128xi32, #tpu.memory_space<vmem>>, vector<16xi32>,
      %shift_right_arithmetic3A_294 = arith.constant 1 : i32
      %shift_right_arithmetic3A_295 = vector.broadcast %shift_right_arithmetic3A_294 : i32 to vector<16xi32>
      %shift_right_arithmetic3A_296 = arith.shrsi %get3A_293, %shift_right_arithmetic3A_295 : vector<16xi32>
      %and3A_297 = arith.constant -128 : i32
      %and3A_298 = vector.broadcast %and3A_297 : i32 to vector<16xi32>
      %and3A_299 = arith.andi %shift_right_arithmetic3A_296, %and3A_298 : vector<16xi32>
      %and3A_300 = arith.constant 127 : i32
      %and3A_301 = vector.broadcast %and3A_300 : i32 to vector<16xi32>
      %and3A_302 = arith.andi %get3A_293, %and3A_301 : vector<16xi32>
      %or3A_303 = arith.ori %and3A_299, %and3A_302 : vector<16xi32>
      %gather3A_304 = tpu.vector_load_idx %arg5[%or3A_303] : memref<57344xi32, #tpu.memory_space<vmem>>[vector<16xi32>], vector<16xi32>,
      %shift_right_arithmetic3A_305 = arith.constant 3 : i32
      %shift_right_arithmetic3A_306 = vector.broadcast %shift_right_arithmetic3A_305 : i32 to vector<16xi32>
      %shift_right_arithmetic3A_307 = arith.shrsi %get3A_293, %shift_right_arithmetic3A_306 : vector<16xi32>
      %and3A_308 = arith.constant 16 : i32
      %and3A_309 = vector.broadcast %and3A_308 : i32 to vector<16xi32>
      %and3A_310 = arith.andi %shift_right_arithmetic3A_307, %and3A_309 : vector<16xi32>
      %shift_right_logical3A_311 = arith.shrui %gather3A_304, %and3A_310 : vector<16xi32>
      %shift_left3A_312 = arith.constant 16 : i32
      %shift_left3A_313 = vector.broadcast %shift_left3A_312 : i32 to vector<16xi32>
      %shift_left3A_314 = arith.shli %shift_right_logical3A_311, %shift_left3A_313 : vector<16xi32>
      %bitcast3A_315 = vector.bitcast %shift_left3A_314 : vector<16xi32> to vector<16xf32>
      %add3A_316 = arith.addf %scan3A_116, %bitcast3A_315 : vector<16xf32>
      scf.yield %add3A_134, %add3A_160, %add3A_186, %add3A_212, %add3A_238, %add3A_264, %add3A_290, %add3A_316 : vector<16xf32>, vector<16xf32>, vector<16xf32>, vector<16xf32>, vector<16xf32>, vector<16xf32>, vector<16xf32>, vector<16xf32>
    }
    %scan3A_92 = arith.constant 200 : i32
    %swap3A = arith.constant 0 : index
    %swap3A_93 = tpu.vector_load %arg7[%swap3A] {strides = array<i32>} : memref<128xf32, #tpu.memory_space<vmem>>, vector<16xf32>,
    tpu.vector_store %arg7[%swap3A], %scan3A_91#0 {strides = array<i32>} : memref<128xf32, #tpu.memory_space<vmem>>, vector<16xf32>,
    %swap3A_94 = arith.constant 16 : index
    %swap3A_95 = tpu.vector_load %arg7[%swap3A_94] {strides = array<i32>} : memref<128xf32, #tpu.memory_space<vmem>>, vector<16xf32>,
    tpu.vector_store %arg7[%swap3A_94], %scan3A_91#1 {strides = array<i32>} : memref<128xf32, #tpu.memory_space<vmem>>, vector<16xf32>,
    %swap3A_96 = arith.constant 32 : index
    %swap3A_97 = tpu.vector_load %arg7[%swap3A_96] {strides = array<i32>} : memref<128xf32, #tpu.memory_space<vmem>>, vector<16xf32>,
    tpu.vector_store %arg7[%swap3A_96], %scan3A_91#2 {strides = array<i32>} : memref<128xf32, #tpu.memory_space<vmem>>, vector<16xf32>,
    %swap3A_98 = arith.constant 48 : index
    %swap3A_99 = tpu.vector_load %arg7[%swap3A_98] {strides = array<i32>} : memref<128xf32, #tpu.memory_space<vmem>>, vector<16xf32>,
    tpu.vector_store %arg7[%swap3A_98], %scan3A_91#3 {strides = array<i32>} : memref<128xf32, #tpu.memory_space<vmem>>, vector<16xf32>,
    %swap3A_100 = arith.constant 64 : index
    %swap3A_101 = tpu.vector_load %arg7[%swap3A_100] {strides = array<i32>} : memref<128xf32, #tpu.memory_space<vmem>>, vector<16xf32>,
    tpu.vector_store %arg7[%swap3A_100], %scan3A_91#4 {strides = array<i32>} : memref<128xf32, #tpu.memory_space<vmem>>, vector<16xf32>,
    %swap3A_102 = arith.constant 80 : index
    %swap3A_103 = tpu.vector_load %arg7[%swap3A_102] {strides = array<i32>} : memref<128xf32, #tpu.memory_space<vmem>>, vector<16xf32>,
    tpu.vector_store %arg7[%swap3A_102], %scan3A_91#5 {strides = array<i32>} : memref<128xf32, #tpu.memory_space<vmem>>, vector<16xf32>,
    %swap3A_104 = arith.constant 96 : index
    %swap3A_105 = tpu.vector_load %arg7[%swap3A_104] {strides = array<i32>} : memref<128xf32, #tpu.memory_space<vmem>>, vector<16xf32>,
    tpu.vector_store %arg7[%swap3A_104], %scan3A_91#6 {strides = array<i32>} : memref<128xf32, #tpu.memory_space<vmem>>, vector<16xf32>,
    %swap3A_106 = arith.constant 112 : index
    %swap3A_107 = tpu.vector_load %arg7[%swap3A_106] {strides = array<i32>} : memref<128xf32, #tpu.memory_space<vmem>>, vector<16xf32>,
    tpu.vector_store %arg7[%swap3A_106], %scan3A_91#7 {strides = array<i32>} : memref<128xf32, #tpu.memory_space<vmem>>, vector<16xf32>,
    "tpu.region"() ({
      %run_scoped3A = tpu.sem_alloc : memref<!tpu.dma_semaphore, #tpu.memory_space<semaphore_mem>>
      %dma_start3A_108 = tpu.memref_slice %arg4[%mul3A_2] : memref<4096xf32, #tpu.memory_space<hbm>> -> memref<128xf32, #tpu.memory_space<hbm>>
      %dma_start3A_109 = tpu.memref_slice %arg4[%mul3A_2] : memref<4096xf32, #tpu.memory_space<hbm>> -> memref<128xf32, #tpu.memory_space<hbm>>
      tpu.enqueue_dma source(%arg7 : memref<128xf32, #tpu.memory_space<vmem>>) target(%dma_start3A_109 : memref<128xf32, #tpu.memory_space<hbm>>) target_semaphore(%run_scoped3A : memref<!tpu.dma_semaphore, #tpu.memory_space<semaphore_mem>>)
      %dma_wait3A_110 = tpu.memref_slice %arg4[%mul3A_2] : memref<4096xf32, #tpu.memory_space<hbm>> -> memref<128xf32, #tpu.memory_space<hbm>>
      %dma_wait3A_111 = tpu.memref_slice %arg4[%mul3A_2] : memref<4096xf32, #tpu.memory_space<hbm>> -> memref<128xf32, #tpu.memory_space<hbm>>
      tpu.wait_dma2 semaphore(%run_scoped3A : memref<!tpu.dma_semaphore, #tpu.memory_space<semaphore_mem>>) src(%arg7 : memref<128xf32, #tpu.memory_space<vmem>>) dst(%dma_wait3A_111 : memref<128xf32, #tpu.memory_space<hbm>>)
      tpu.yield
    }) : () -> ()
    return
  }
}

module attributes {stable_mosaic.version = 14 : i64} {
  func.func @_proj_body(%arg0: i32, %arg1: memref<1xf32, #tpu.memory_space<smem>>, %arg2: memref<16384x128xf32, #tpu.memory_space<vmem>>, %arg3: memref<1x128xf32, #tpu.memory_space<vmem>>, %arg4: memref<64x128xi32, #tpu.memory_space<vmem>>) attributes {dimension_semantics = [#tpu.dimension_semantics<arbitrary>], iteration_bounds = array<i64: 7>, scalar_prefetch = 0 : i64, scratch_operands = 0 : i64, tpu.core_type = #tpu.core_type<tc>, window_params = [{transform_indices = @transform_0, window_bounds = array<i64: 1>}, {transform_indices = @transform_1, window_bounds = array<i64: 16384, 128>}, {pipeline_mode = #tpu.pipeline_mode<synchronous>, transform_indices = @transform_2, window_bounds = array<i64: 1, 128>}, {transform_indices = @transform_3, window_bounds = array<i64: 64, 128>}]} {
    %get3A = arith.constant 0 : index
    %get3A_0 = arith.constant 0 : index
    %get3A_1 = vector.load %arg2[%get3A, %get3A_0] : memref<16384x128xf32, #tpu.memory_space<vmem>>, vector<16384x128xf32>
    %get3A_2 = arith.constant 0 : index
    %get3A_3 = arith.constant 0 : index
    %get3A_4 = vector.load %arg3[%get3A_2, %get3A_3] : memref<1x128xf32, #tpu.memory_space<vmem>>, vector<1x128xf32>
    %mul3A = vector.broadcast %get3A_4 : vector<1x128xf32> to vector<16384x128xf32>
    %mul3A_5 = arith.mulf %get3A_1, %mul3A : vector<16384x128xf32>
    %reshape3A = vector.shape_cast %mul3A_5 : vector<16384x128xf32> to vector<128x128x128xf32>
    %reduce_sum3A = arith.constant dense<0.000000e+00> : vector<128x128xf32>
    %reduce_sum3A_6 = vector.multi_reduction <add>, %reshape3A, %reduce_sum3A [2] : vector<128x128x128xf32> to vector<128x128xf32>
    %mul3A_7 = arith.constant 5.000000e-03 : f32
    %mul3A_8 = vector.broadcast %mul3A_7 : f32 to vector<128x128xf32>
    %mul3A_9 = arith.mulf %reduce_sum3A_6, %mul3A_8 : vector<128x128xf32>
    %get3A_10 = arith.constant 0 : index
    %get3A_11 = memref.load %arg1[%get3A_10] : memref<1xf32, #tpu.memory_space<smem>>
    %mul3A_12 = arith.constant 5.000000e-03 : f32
    %mul3A_13 = arith.mulf %get3A_11, %mul3A_12 : f32
    %add3A = vector.broadcast %mul3A_13 : f32 to vector<128x128xf32>
    %add3A_14 = arith.addf %mul3A_9, %add3A : vector<128x128xf32>
    %reshape3A_15 = vector.shape_cast %add3A_14 : vector<128x128xf32> to vector<64x2x128xf32>
    %slice3A = vector.extract_strided_slice %reshape3A_15 {offsets = [0, 0, 0], sizes = [64, 1, 128], strides = [1, 1, 1]} : vector<64x2x128xf32> to vector<64x1x128xf32>
    %squeeze3A = vector.shape_cast %slice3A : vector<64x1x128xf32> to vector<64x128xf32>
    %bitcast_convert_type3A = tpu.bitcast %squeeze3A : vector<64x128xf32> -> vector<64x128xi32>
    %shift_right_logical3A = arith.constant 16 : i32
    %shift_right_logical3A_16 = vector.broadcast %shift_right_logical3A : i32 to vector<64x128xi32>
    %shift_right_logical3A_17 = arith.shrui %bitcast_convert_type3A, %shift_right_logical3A_16 : vector<64x128xi32>
    %and3A = arith.constant 1 : i32
    %and3A_18 = vector.broadcast %and3A : i32 to vector<64x128xi32>
    %and3A_19 = arith.andi %shift_right_logical3A_17, %and3A_18 : vector<64x128xi32>
    %add3A_20 = arith.constant 32767 : i32
    %add3A_21 = vector.broadcast %add3A_20 : i32 to vector<64x128xi32>
    %add3A_22 = arith.addi %bitcast_convert_type3A, %add3A_21 : vector<64x128xi32>
    %add3A_23 = arith.addi %add3A_22, %and3A_19 : vector<64x128xi32>
    %shift_right_logical3A_24 = arith.constant 16 : i32
    %shift_right_logical3A_25 = vector.broadcast %shift_right_logical3A_24 : i32 to vector<64x128xi32>
    %shift_right_logical3A_26 = arith.shrui %add3A_23, %shift_right_logical3A_25 : vector<64x128xi32>
    %slice3A_27 = vector.extract_strided_slice %reshape3A_15 {offsets = [0, 1, 0], sizes = [64, 1, 128], strides = [1, 1, 1]} : vector<64x2x128xf32> to vector<64x1x128xf32>
    %squeeze3A_28 = vector.shape_cast %slice3A_27 : vector<64x1x128xf32> to vector<64x128xf32>
    %bitcast_convert_type3A_29 = tpu.bitcast %squeeze3A_28 : vector<64x128xf32> -> vector<64x128xi32>
    %shift_right_logical3A_30 = arith.constant 16 : i32
    %shift_right_logical3A_31 = vector.broadcast %shift_right_logical3A_30 : i32 to vector<64x128xi32>
    %shift_right_logical3A_32 = arith.shrui %bitcast_convert_type3A_29, %shift_right_logical3A_31 : vector<64x128xi32>
    %and3A_33 = arith.constant 1 : i32
    %and3A_34 = vector.broadcast %and3A_33 : i32 to vector<64x128xi32>
    %and3A_35 = arith.andi %shift_right_logical3A_32, %and3A_34 : vector<64x128xi32>
    %add3A_36 = arith.constant 32767 : i32
    %add3A_37 = vector.broadcast %add3A_36 : i32 to vector<64x128xi32>
    %add3A_38 = arith.addi %bitcast_convert_type3A_29, %add3A_37 : vector<64x128xi32>
    %add3A_39 = arith.addi %add3A_38, %and3A_35 : vector<64x128xi32>
    %shift_right_logical3A_40 = arith.constant 16 : i32
    %shift_right_logical3A_41 = vector.broadcast %shift_right_logical3A_40 : i32 to vector<64x128xi32>
    %shift_right_logical3A_42 = arith.shrui %add3A_39, %shift_right_logical3A_41 : vector<64x128xi32>
    %shift_left3A = arith.constant 16 : i32
    %shift_left3A_43 = vector.broadcast %shift_left3A : i32 to vector<64x128xi32>
    %shift_left3A_44 = arith.shli %shift_right_logical3A_42, %shift_left3A_43 : vector<64x128xi32>
    %or3A = arith.ori %shift_right_logical3A_26, %shift_left3A_44 : vector<64x128xi32>
    %swap3A = arith.constant 0 : index
    %swap3A_45 = arith.constant 0 : index
    %swap3A_46 = vector.load %arg4[%swap3A, %swap3A_45] : memref<64x128xi32, #tpu.memory_space<vmem>>, vector<64x128xi32>
    tpu.vector_store %arg4[%swap3A, %swap3A_45], %or3A {strides = array<i32>} : memref<64x128xi32, #tpu.memory_space<vmem>>, vector<64x128xi32>,
    return
  }
  func.func @transform_0(%arg0: i32) -> i32 {
    %c0_i32 = arith.constant 0 : i32
    %c0_i32_0 = arith.constant 0 : i32
    return %c0_i32 : i32
  }
  func.func @transform_1(%arg0: i32) -> (i32, i32) {
    %c0_i32 = arith.constant 0 : i32
    %c0_i32_0 = arith.constant 0 : i32
    return %arg0, %c0_i32 : i32, i32
  }
  func.func @transform_2(%arg0: i32) -> (i32, i32) {
    %c0_i32 = arith.constant 0 : i32
    %c0_i32_0 = arith.constant 0 : i32
    %c0_i32_1 = arith.constant 0 : i32
    return %c0_i32, %c0_i32_0 : i32, i32
  }
  func.func @transform_3(%arg0: i32) -> (i32, i32) {
    %c0_i32 = arith.constant 0 : i32
    %c0_i32_0 = arith.constant 0 : i32
    return %arg0, %c0_i32 : i32, i32
  }
}

</mosaic_0001>

<sc_bundles>
// kernel: kernel.4.cloned.1.call-start
scs
__scs_entry_jumppad:
0x0: {  	(pc) =	sbr.rel $0x88, $3  }
0x1: {  	(tag) =	ssettag $0x0;
	lr =	simm.s32 $0x1  }
0x2: {  	[smem:$0x3F9D] =	sst lr;
	_ =	strace $0xD0000000  }
0x3: {  	_ = 	snop  }
0x4: {  	_ = 	snop  }
0x5: {  	_ = 	snop  }
0x6: {  	_ = 	snop  }
0x7: {  	_ = 	snop  }
__scs_overlays_trampoline_lowered:
0x8: {  	[smem:$0x3FAC] =	sst s0  }
0x9: {  	[smem:$0x3FAD] =	sst s1  }
0xa: {  	[smem:$0x3FAE] =	sst s2  }
0xb: {  	[smem:$0x3FAF] =	sst s3  }
0xc: {  	[smem:$0x3FB0] =	sst s4  }
0xd: {  	[smem:$0x3FB1] =	sst s5  }
0xe: {  	[smem:$0x3FB2] =	sst s6  }
0xf: {  	[smem:$0x3FB3] =	sst s7  }
0x10: {  	[smem:$0x3FB4] =	sst s8  }
0x11: {  	[smem:$0x3FB5] =	sst s9;
	s0 =	simm.s32 @!p0 $0x0  }
0x12: {  	s1 =	sld [smem:$0x3F9B];
	s0 =	simm.s32 @p0 $0x1  }
0x13: {  	[smem:$0x3FB6] =	sst s0;
	s0 =	simm.s32 @!p1 $0x0  }
0x14: {  	s2 =	sld [smem:$0x3F9A];
	s0 =	simm.s32 @p1 $0x1  }
0x15: {  	[smem:$0x3FB7] =	sst s0;
	s0 =	simm.s32 @!p2 $0x0  }
0x16: {  	s3 =	sld [smem:$0x3FDB];
	s0 =	simm.s32 @p2 $0x1  }
0x17: {  	s4 =	simm.s32 $0x1BF5;
	[smem:$0x3FB9] =	sst s0  }
0x18: {  	s0 =	sld [smem:$0x3F9C];
	_ =	swait.ge [sflag:s4], $0x0  }
0x19: {  	s7 =	sld [smem:$0x3F9D]  }
0x1a: {  	s8 =	sadd.s32 $0xFFFFE003, lr  }
0x1b: {  	s9 =	sadd.s32 $0xFFFFFEF7, lr;
	s5 =	simm.s32 $0xFFFFFFFF;
	p2 =	slt.u32 s8, $0xFFFFF086  }
0x1c: {  	p1 =	slt.u32 s9, $0xF7A;
	s5 =	simm.s32 @!p2 $0x0  }
0x1d: {  	s5 =	simm.s32 @p1 $0x1;
	p0 =	seq.s32 s7, s2  }
0x1e: {  	s7 =	smul.u32 @!p0 $0xF7A, s2;
	p2 =	seq.s32 @!p0 s5, $0x0  }
0x1f: {  	s9 =	smul.u32 $0xF7A, s1;
	s8 =	simm.s32 @!p0 $0x1BF5;
	p2 =	por !p2, p0  }
0x20: {  	[sflag:s8] =	ssyncset.s32 @!p0 $0xFFFFF086;
	s6 =	sadd.s32 @!p0 s3, s7;
	s7 =	simm.s32 @!p0 $0x108  }
0x21: {  	s3 =	sadd.s32 s3, s9;
	s6 =	sadd.s32 @!p0 $0x88, s6;
	s7 =	simm.s32 @p2 $0x1082  }
0x22: {  	[simem:s7], [sflag:s8] =	dma.local @!p0 [hbm:s6], $0xF7A  }
0x23: {  	s9 =	sor.u32 $0xD0000000, s2;
	s6 =	simm.s32 $0x108;
	_ =	swait.ge @!p0 [sflag:s8], $0x0  }
0x24: {  	s3 =	sadd.s32 $0x88, s3;
	s6 =	simm.s32 @!p1 $0x1082;
	[sflag:s4] =	ssyncset.s32 $0xFFFFF086  }
0x25: {  	[simem:s6], [sflag:s4] =	dma.local [hbm:s3], $0xF7A  }
0x26: {  	[smem:$0x3F9D] =	sst s1;
	(tag) =	ssettag s2;
	_ =	strace s9  }
0x27: {  	s1 =	sld [smem:$0x3FAD]  }
0x28: {  	s2 =	sld [smem:$0x3FAE]  }
0x29: {  	s4 =	sld [smem:$0x3FB0]  }
0x2a: {  	p0 =	seq.s32 s5, $0x0;
	s5 =	sld [smem:$0x3FB1]  }
0x2b: {  	s6 =	sld [smem:$0x3FB2]  }
0x2c: {  	s7 =	sld [smem:$0x3FB3]  }
0x2d: {  	s3 =	simm.s32 $0x108;
	s8 =	sld [smem:$0x3FB4]  }
0x2e: {  	s3 =	simm.s32 @!p0 $0x1082;
	s9 =	sld [smem:$0x3FB5]  }
0x2f: {  	lr =	sadd.s32 s0, s3;
	s0 =	sld [smem:$0x3FAC]  }
0x30: {  	s3 =	sld [smem:$0x3FAF]  }
0x31: {  	[smem:$0x3FB8] =	sst s10  }
0x32: {  	s10 =	sld [smem:$0x3FB6];
	_ =	sdelay $0x3  }
0x33: {  	p0 =	seq.s32 s10, $0x1;
	s10 =	sld [smem:$0x3FB8];
	_ =	sdelay $0x3  }
0x34: {  	[smem:$0x3FB8] =	sst s10  }
0x35: {  	s10 =	sld [smem:$0x3FB7];
	_ =	sdelay $0x3  }
0x36: {  	p1 =	seq.s32 s10, $0x1;
	s10 =	sld [smem:$0x3FB8];
	_ =	sdelay $0x3  }
0x37: {  	[smem:$0x3FB8] =	sst s10  }
0x38: {  	s10 =	sld [smem:$0x3FB9]  }
0x39: {  	_ = 	snop;
	(pc) =	sbr.ind lr, $3  }
0x3a: {  	_ = 	snop  }
0x3b: {  	_ = 	snop  }
0x3c: {  	p2 =	seq.s32 s10, $0x1;
	s10 =	sld [smem:$0x3FB8]  }
0x3d: {  	_ =	shalt  }
0x3e: {  	_ =	shalt  }
0x3f: {  	_ =	shalt  }
0x40: {  	_ =	shalt  }
0x41: {  	_ =	shalt  }
0x42: {  	_ =	shalt  }
0x43: {  	_ =	shalt  }
0x44: {  	_ =	shalt  }
0x45: {  	_ =	shalt  }
0x46: {  	_ =	shalt  }
0x47: {  	_ =	shalt  }
0x48: {  	_ =	shalt  }
0x49: {  	_ =	shalt  }
0x4a: {  	_ =	shalt  }
0x4b: {  	_ =	shalt  }
0x4c: {  	_ =	shalt  }
0x4d: {  	_ =	shalt  }
0x4e: {  	_ =	shalt  }
0x4f: {  	_ =	shalt  }
0x50: {  	_ =	shalt  }
0x51: {  	_ =	shalt  }
0x52: {  	_ =	shalt  }
0x53: {  	_ =	shalt  }
0x54: {  	_ =	shalt  }
0x55: {  	_ =	shalt  }
0x56: {  	_ =	shalt  }
0x57: {  	_ =	shalt  }
0x58: {  	_ =	shalt  }
0x59: {  	_ =	shalt  }
0x5a: {  	_ =	shalt  }
0x5b: {  	_ =	shalt  }
0x5c: {  	_ =	shalt  }
0x5d: {  	_ =	shalt  }
0x5e: {  	_ =	shalt  }
0x5f: {  	_ =	shalt  }
0x60: {  	_ =	shalt  }
0x61: {  	_ =	shalt  }
0x62: {  	_ =	shalt  }
0x63: {  	_ =	shalt  }
0x64: {  	_ =	shalt  }
0x65: {  	_ =	shalt  }
0x66: {  	_ =	shalt  }
0x67: {  	_ =	shalt  }
0x68: {  	_ =	shalt  }
0x69: {  	_ =	shalt  }
0x6a: {  	_ =	shalt  }
0x6b: {  	_ =	shalt  }
0x6c: {  	_ =	shalt  }
0x6d: {  	_ =	shalt  }
0x6e: {  	_ =	shalt  }
0x6f: {  	_ =	shalt  }
0x70: {  	_ =	shalt  }
0x71: {  	_ =	shalt  }
0x72: {  	_ =	shalt  }
0x73: {  	_ =	shalt  }
0x74: {  	_ =	shalt  }
0x75: {  	_ =	shalt  }
0x76: {  	_ =	shalt  }
0x77: {  	_ =	shalt  }
0x78: {  	_ =	shalt  }
0x79: {  	_ =	shalt  }
0x7a: {  	_ =	shalt  }
0x7b: {  	_ =	shalt  }
0x7c: {  	_ =	shalt  }
0x7d: {  	_ =	shalt  }
0x7e: {  	_ =	shalt  }
0x7f: {  	_ =	shalt  }
0x80: {  	_ =	shalt  }
0x81: {  	_ =	shalt  }
0x82: {  	_ =	shalt  }
0x83: {  	_ =	shalt  }
0x84: {  	_ =	shalt  }
0x85: {  	_ =	shalt  }
0x86: {  	_ =	shalt  }
0x87: {  	_ =	shalt  }
.Lfunc_end0:
.L_simem_size_0:
called_computation_lowered:
.L_overlay_start_0:
0x88: {  	s2 =	sld [smem:$0x3FD9]  }
0x89: {  	s3 =	sld [smem:$0x3FFE];
	_ =	sdelay $0x1  }
0x8a: {  	s1 =	srdreg.scid  }
0x8b: {  	s0 =	sand.u32 $0x1, s1  }
0x8c: {  	s17 =	sshll.u32 s0, $0xA;
	s2 =	sadd.s32 s3, s2  }
0x8d: {  	s2 =	sadd.s32 s2, s17  }
0x8e: {  	[smem:$0x3FC4] =	sst s2  }
0x8f: {  	_ = 	snop  }
0x90: {  	s2 =	sld [smem:$0x3FC9]  }
0x91: {  	s18 =	sld [smem:$0x3FD0];
	(tm) =	ssettm $0x1  }
0x92: {  	s4 =	sld [smem:$0x3FFB];
	_ =	sdelay $0x3  }
0x93: {  	_ =	strace s4  }
0x94: {  	s4 =	sld [smem:$0x3FFC];
	_ =	sdelay $0x3  }
0x95: {  	_ =	strace s4  }
0x96: {  	s4 =	sld [smem:$0x3FFD];
	_ =	sdelay $0x3  }
0x97: {  	_ =	strace s4  }
0x98: {  	_ =	strace $0x8FFFFFFF  }
0x99: {  	s19 =	sld [smem:$0x3FDB];
	_ =	sdelay $0x1  }
0x9a: {  	s5 =	simm.s32 $_scs_section_size  }
0x9b: {  	s6 =	simm.s32 $_size__tile_overlayer_lowered;
	s7 =	simm.s32 $_tile_overlayer_lowered  }
0x9c: {  	s22 =	simm.s32 $0x1BFF;
	s21 =	sshll.u32 s7, $0x1;
	s4 =	sadd.s32 s5, s19  }
0x9d: {  	s8 =	simm.s32 $0x0;
	s20 =	sshll.u32 s6, $0x1;
	s6 =	sadd.s32 s21, s4  }
0x9e: {  	[timem:s8], [sflag:s22] =	dma.local [hbm:s6], s20  }
0x9f: {  	_ =	swait.ge [sflag:s22], s20  }
0xa0: {  	s5 =	ssub.s32 $0x0, s20;
	[sflag:s22] =	ssyncset.done $0x0  }
0xa1: {  	[sflag:s22] =	ssyncadd.s32 s5;
	_ =	sdelay $0x1  }
0xa2: {  	s23 =	simm.s32 $0x1B8B  }
0xa3: {  	_ =	swait.ge [sflag:s23], $0x1  }
0xa4: {  	[sflag:s23] =	ssyncset.done $0x0  }
0xa5: {  	s25 =	simm.s32 $0x1B8E;
	s24 =	sld [smem:$0x3FFE];
	[sflag:s23] =	ssyncadd.s32 $0xFFFFFFFF  }
0xa6: {  	s26 =	simm.s32 $execute0_lowered;
	[smem:$0x3FD2] =	sst s25  }
0xa7: {  	s6 =	sshll.u32 s26, $0x1;
	_ =	strace $0x80000046;
	[dreg:$0x1] =	wrdreg $0xFFFFFFFF  }
0xa8: {  	s28 =	simm.s32 $_size_execute0_lowered;
	s4 =	sadd.s32 s4, s6;
	[dreg:$0x0] =	wrdreg $0x0  }
0xa9: {  	s6 =	sshll.u32 s28, $0x1;
	[dreg:$0x2] =	wrdreg s4  }
0xaa: {  	[dreg:$0x3] =	wrdreg s6  }
0xab: {  	[dreg:$0x4] =	wrdreg $0xC0  }
0xac: {  	_ =	task [dreg:s8], $0x5FFFF  }
0xad: {  	[dreg:$0x1] =	wrdreg $0xFFFFFFFF  }
0xae: {  	[dreg:$0x0] =	wrdreg $0x60  }
0xaf: {  	[dreg:$0x2] =	wrdreg s24  }
0xb0: {  	[dreg:$0x3] =	wrdreg s2  }
0xb1: {  	[dreg:$0x4] =	wrdreg s18  }
0xb2: {  	[dreg:$0x5] =	wrdreg $0x9  }
0xb3: {  	_ =	task.clear_ibuf [dreg:s8], $0x6FFFF;
	_ =	strace $0x90000046  }
0xb4: {  	s29 =	simm.s32 $0x9;
	_ =	strace $0x80000048  }
0xb5: {  	_ =	swait.ge [sflag:s29], $0x1  }
0xb6: {  	[sflag:s29] =	ssyncadd.s32 $0xFFFFFFFF  }
0xb7: {  	_ =	strace $0x90000048  }
0xb8: {  	_ =	sfence  }
0xb9: {  	s30 =	sld [smem:$0x0];
	_ =	sdelay $0x2  }
0xba: {  	s31 =	sshll.u32 s1, $0xD;
	s1 =	sshrl.u32 s1, $0x2  }
0xbb: {  	s3 =	sand.u32 $0x4000, s31;
	s1 =	sadd.s32 s1, s30  }
0xbc: {  	s0 =	sor.u32 s3, s0;
	s1 =	sshll.u32 s1, $0x11  }
0xbd: {  	s0 =	sor.u32 s1, s0  }
0xbe: {  	s0 =	sadd.s32 $0x8F2B, s0  }
0xbf: {  	[sflag:s0] =	ssyncadd.remote.s32 $0x1  }
0xc0: {  	_ =	sfence.sel $0xFFFF  }
0xc1: {  	[dreg:$0x0] =	wrdreg $0xFFFFFFFF;
	(pc) =	sbr.abs _section_cstart, $3  }
0xc2: {  	[dreg:$0x1] =	wrdreg $0xFFFFFFFF  }
0xc3: {  	_ =	task.clear_ibuf [dreg:s8], $0x2FFFF;
	_ =	strace $0x9FFFFFFF  }
0xc4: {  	(tm) =	ssettm $0x7FFFFFFF  }
0xc5: {  	_ =	shalt  }
tec
execute0_lowered:
.L_overlay_start_1:
0x0: {  	(tag) =	ssettag $0x1  }
0x1: {  	s4 =	rddreg [dreg:$0x0]  }
0x2: {  	s5 =	rddreg [dreg:$0x1]  }
0x3: {  	s7 =	rddreg [dreg:$0x2]  }
0x4: {  	s0 =	rddreg [dreg:$0x3];
	s3 =	srdreg.scid  }
0x5: {  	s2 =	simm.s32 $0x0;
	s1 =	stileid.u32;
	s10 =	simm.s32 $0x400  }
0x6: {  	s11 =	simm.s32 $0x8000;
	s12 =	simm.s32 $0xE000;
	s13 =	simm.s32 $0x11400  }
0x7: {  	s14 =	simm.s32 $0x1;
	s15 =	simm.s32 $0x2;
	s16 =	simm.s32 $0x3  }
0x8: {  	s17 =	simm.s32 $0x4;
	s18 =	simm.s32 $0x14400;
	s19 =	simm.s32 $0x5  }
0x9: {  	s20 =	simm.s32 $0x0;
	s3 =	sand.u32 $0x1, s3;
	[smem:$0x7FF] =	sst s2  }
0xa: {  	s8 =	sshll.u32 s1, $0x1;
	s6 =	ssub.s32 $0x2, s3;
	_ =	strace $0x80000047  }
0xb: {  	s8 =	sor.u32 s3, s8;
	s3 =	sadd.s32 $0x800, s4;
	s4 =	sadd.s32 $0x1600, s4  }
0xc: {  	s9 =	sshrl.u32 s6, $0x1;
	s31 =	sshll.u32 s8, $0x7;
	s8 =	sshll.u32 s8, $0x4  }
0xd: {  	s9 =	ssub.s32 s6, s9;
	s5 =	sadd.s32 s5, s31;
	s7 =	sadd.s32 s7, s8  }
0xe: {  	s6 =	sadd.s32 $0xD000, s5;
	s8 =	smax.u32 s9, $0x1;
	s9 =	simm.s32 $0x7000  }
.LBB2_1:
0xf: {  	[tilespmem:s2], [sflag:$0x1] =	stream.linear.gather [hbm4b:s3+s2], $0x7000, $0x38;
	[tilespmem:$0x14480] =	vst v63  }
0x10: {  	_ = 	snop  }
0x11: {  	[tilespmem:s9], [sflag:$0x2] =	stream.linear.gather [hbm4b:s4+s2], $0x7000, $0x38;
	[tilespmem:$0x14480] =	vst v63  }
0x12: {  	_ = 	snop  }
0x13: {  	[tilespmem:s12], [sflag:$0x3] =	stream.strided.gather [hbm4b:s5+s10], $0x3400, s11, s10, $0x38;
	[tilespmem:$0x14480] =	vst v63  }
0x14: {  	_ = 	snop  }
0x15: {  	[tilespmem:s13], [sflag:$0x4] =	stream.strided.gather [hbm4b:s6+s10], $0x3000, s11, s10, $0x38;
	[tilespmem:$0x14480] =	vst v63  }
0x16: {  	_ =	swait.ge [sflag:s14], $0x7000  }
0x17: {  	[sflag:s14] =	ssyncset.done $0x0  }
0x18: {  	[sflag:s14] =	ssyncadd.s32 $0xFFFF9000  }
0x19: {  	_ =	swait.ge [sflag:s15], $0x7000  }
0x1a: {  	[sflag:s15] =	ssyncset.done $0x0  }
0x1b: {  	[sflag:s15] =	ssyncadd.s32 $0xFFFF9000  }
0x1c: {  	_ =	swait.ge [sflag:s16], $0x3400  }
0x1d: {  	[sflag:s16] =	ssyncset.done $0x0  }
0x1e: {  	[sflag:s16] =	ssyncadd.s32 $0xFFFFCC00  }
0x1f: {  	_ =	swait.ge [sflag:s17], $0x3000  }
0x20: {  	[sflag:s17] =	ssyncset.done $0x0  }
0x21: {  	s21 =	simm.s32 $0x0;
	[sflag:s17] =	ssyncadd.s32 $0xFFFFD000  }
0x22: {  	v1 =	vld [tilespmem:s21+$0xE070]  }
0x23: {  	v2 =	vld [tilespmem:s21+$0xE000]  }
0x24: {  	v3 =	vld [tilespmem:s21+$0xE010]  }
0x25: {  	v4 =	vld [tilespmem:s21+$0xE020]  }
0x26: {  	v5 =	vld [tilespmem:s21+$0xE030]  }
0x27: {  	v10 =	vld [tilespmem:s21+$0xE050]  }
0x28: {  	s31 =	simm.s32 $0x80  }
0x29: {  	v0 =	vimm.f32 $0.0e+00;
	v19 =	vld [tilespmem:s31+$0xE020];
	v6 =	vshra.s32 v1, $0x1  }
0x2a: {  	v8 =	vshra.s32 v2, $0x1;
	v9 =	vand.u32 $0x7F, v1;
	v11 =	vshra.s32 v3, $0x1  }
0x2b: {  	v12 =	vshra.s32 v4, $0x1;
	v14 =	vand.u32 $0x7F, v3;
	v15 =	vshra.s32 v5, $0x1  }
0x2c: {  	v16 =	vand.u32 $0x7F, v4;
	v17 =	vand.u32 $0x7F, v5;
	v18 =	vand.u32 $0x7F, v10  }
0x2d: {  	v7 =	vld [tilespmem:s21+$0xE040];
	v1 =	vshrl.u32 v1, $0x3;
	v3 =	vshrl.u32 v3, $0x3;
	v4 =	vshrl.u32 v4, $0x3  }
0x2e: {  	v13 =	vld [tilespmem:s21+$0xE060];
	v5 =	vshrl.u32 v5, $0x3;
	v23 =	vshra.s32 v19, $0x1;
	v6 =	vand.u32 $0xFFFFFF80, v6  }
0x2f: {  	v26 =	vand.u32 $0x7F, v19;
	v8 =	vand.u32 $0xFFFFFF80, v8;
	v6 =	vor.u32 v9, v6  }
0x30: {  	v21 =	vld [tilespmem:s31+$0xE060];
	v11 =	vand.u32 $0xFFFFFF80, v11;
	v12 =	vand.u32 $0xFFFFFF80, v12;
	v15 =	vand.u32 $0xFFFFFF80, v15  }
0x31: {  	v9 =	vand.u32 $0x7F, v2;
	v11 =	vor.u32 v14, v11;
	v12 =	vor.u32 v16, v12  }
0x32: {  	v16 =	vand.u32 $0x7F, v7;
	v8 =	vor.u32 v9, v8;
	v9 =	vshra.s32 v7, $0x1  }
0x33: {  	v15 =	vor.u32 v17, v15;
	v17 =	vshra.s32 v13, $0x1;
	v9 =	vand.u32 $0xFFFFFF80, v9  }
0x34: {  	v17 =	vand.u32 $0xFFFFFF80, v17;
	v9 =	vor.u32 v16, v9;
	v16 =	vand.u32 $0x7F, v13;
	v6 =	vld.idx.msk [tilespmem:v6+s2+$0x0], $0xffff  }
0x35: {  	v31 =	vshra.s32 v21, $0x1;
	v63 =	vshrl.u32 v21, $0x3;
	v16 =	vor.u32 v16, v17;
	v17 =	vld [tilespmem:s31+$0xE070]  }
0x36: {  	v1 =	vand.u32 $0x10, v1;
	v3 =	vand.u32 $0x10, v3;
	v5 =	vand.u32 $0x10, v5;
	v11 =	vld.idx.msk [tilespmem:v11+s2+$0x0], $0xffff  }
0x37: {  	v23 =	vand.u32 $0xFFFFFF80, v23;
	v31 =	vand.u32 $0xFFFFFF80, v31;
	v14 =	vshra.s32 v10, $0x1;
	v8 =	vld.idx.msk [tilespmem:v8+s2+$0x0], $0xffff  }
0x38: {  	v2 =	vshrl.u32 v2, $0x3;
	v10 =	vshrl.u32 v10, $0x3;
	v14 =	vand.u32 $0xFFFFFF80, v14;
	v12 =	vld.idx.msk [tilespmem:v12+s2+$0x0], $0xffff  }
0x39: {  	v7 =	vshrl.u32 v7, $0x3;
	v2 =	vand.u32 $0x10, v2;
	v1 =	vshrl.u32 v6, v1;
	v6 =	vld.idx.msk [tilespmem:v15+s2+$0x0], $0xffff  }
0x3a: {  	v10 =	vand.u32 $0x10, v10;
	v14 =	vor.u32 v18, v14;
	v13 =	vshrl.u32 v13, $0x3;
	v15 =	vld.idx.msk [tilespmem:v9+s2+$0x0], $0xffff  }
0x3b: {  	v7 =	vand.u32 $0x10, v7;
	v3 =	vshrl.u32 v11, v3;
	v11 =	vand.u32 $0x10, v13;
	v13 =	vld [tilespmem:s31+$0xE010]  }
0x3c: {  	v9 =	vand.u32 $0x10, v4;
	v1 =	vshll.u32 v1, $0x10;
	v2 =	vshrl.u32 v8, v2  }
0x3d: {  	v18 =	vld [tilespmem:s31+$0xE000];
	v3 =	vshll.u32 v3, $0x10;
	v8 =	vshrl.u32 v12, v9;
	v2 =	vshll.u32 v2, $0x10  }
0x3e: {  	v12 =	vld [tilespmem:s31+$0xE040];
	v1 =	vadd.f32 v1, v0;
	v8 =	vshll.u32 v8, $0x10;
	v4 =	vadd.f32 v2, v0  }
0x3f: {  	v2 =	vadd.f32 v3, v0;
	v5 =	vshrl.u32 v6, v5;
	v6 =	vshra.s32 v17, $0x1  }
0x40: {  	v22 =	vshrl.u32 v15, v7;
	v7 =	vand.u32 $0x7F, v17;
	v20 =	vshra.s32 v13, $0x1  }
0x41: {  	v3 =	vld [tilespmem:s31+$0xE030];
	v24 =	vand.u32 $0x7F, v13;
	v17 =	vshrl.u32 v17, $0x3;
	v13 =	vshrl.u32 v13, $0x3  }
0x42: {  	v9 =	vshll.u32 v5, $0x10;
	v5 =	vshra.s32 v18, $0x1;
	v6 =	vand.u32 $0xFFFFFF80, v6  }
0x43: {  	v20 =	vand.u32 $0xFFFFFF80, v20;
	v27 =	vshra.s32 v12, $0x1;
	v30 =	vand.u32 $0x7F, v12  }
0x44: {  	v17 =	vand.u32 $0x10, v17;
	v12 =	vshrl.u32 v12, $0x3;
	v6 =	vor.u32 v7, v6  }
0x45: {  	v15 =	vld [tilespmem:s31+$0xE050];
	v5 =	vand.u32 $0xFFFFFF80, v5;
	v7 =	vand.u32 $0x7F, v18;
	v27 =	vand.u32 $0xFFFFFF80, v27  }
0x46: {  	v62 =	vld.idx.msk [tilespmem:v16+s2+$0x0], $0xffff;
	v20 =	vor.u32 v24, v20;
	v24 =	vor.u32 v26, v23;
	v25 =	vshra.s32 v3, $0x1  }
0x47: {  	v18 =	vshrl.u32 v18, $0x3;
	v26 =	vld.idx.msk [tilespmem:v14+s2+$0x0], $0xffff;
	v28 =	vand.u32 $0x7F, v3;
	v25 =	vand.u32 $0xFFFFFF80, v25  }
0x48: {  	v14 =	vshrl.u32 v19, $0x3;
	v19 =	vand.u32 $0x10, v13;
	v25 =	vor.u32 v28, v25  }
0x49: {  	v13 =	vimm.f32 $0.0e+00;
	v5 =	vor.u32 v7, v5;
	v27 =	vor.u32 v30, v27;
	v33 =	vld.idx.msk [tilespmem:v6+s2+$0x0], $0xffff  }
0x4a: {  	v3 =	vshrl.u32 v3, $0x3;
	v23 =	vand.u32 $0x10, v18;
	v29 =	vshra.s32 v15, $0x1  }
0x4b: {  	v32 =	vand.u32 $0x7F, v15;
	v29 =	vand.u32 $0xFFFFFF80, v29;
	v6 =	vand.u32 $0x7F, v21  }
0x4c: {  	v7 =	vor.u32 v32, v29;
	v10 =	vshrl.u32 v26, v10;
	v26 =	vshrl.u32 v62, v11  }
0x4d: {  	v11 =	vimm.f32 $0.0e+00;
	v6 =	vor.u32 v6, v31;
	v18 =	vld.idx.msk [tilespmem:v25+s2+$0x0], $0xffff;
	v25 =	vshll.u32 v10, $0x10  }
0x4e: {  	v21 =	vld.idx.msk [tilespmem:v5+s2+$0x0], $0xffff;
	v10 =	vimm.f32 $0.0e+00;
	v16 =	vshrl.u32 v33, v17;
	v17 =	vshrl.u32 v15, $0x3  }
0x4f: {  	v20 =	vld.idx.msk [tilespmem:v20+s2+$0x0], $0xffff;
	v15 =	vshll.u32 v16, $0x10;
	v16 =	vand.u32 $0x10, v14;
	v14 =	vand.u32 $0x10, v12  }
0x50: {  	v5 =	vand.u32 $0x10, v17;
	v17 =	vld.idx.msk [tilespmem:v24+s2+$0x0], $0xffff;
	v24 =	vshll.u32 v22, $0x10;
	v12 =	vimm.f32 $0.0e+00  }
0x51: {  	s22 =	simm.s32 $0x100;
	s21 =	simm.s32 $0x600;
	v22 =	vld.idx.msk [tilespmem:v27+s2+$0x0], $0xffff;
	v1 =	vadd.f32 v15, v1;
	v15 =	vand.u32 $0x10, v3;
	v3 =	vand.u32 $0x10, v63  }
.LBB2_2:
0x52: {  	p0 =	sne.s32 s21, $0x18E00;
	v27 =	vld [tilespmem:s22+$0xE070];
	v0 =	vadd.f32 v8, v0;
	v11 =	vadd.f32 v9, v11;
	v8 =	vshll.u32 v26, $0x10  }
0x53: {  	v9 =	vshrl.u32 v21, v23;
	v12 =	vadd.f32 v24, v12;
	v13 =	vadd.f32 v25, v13;
	v26 =	vld [tilespmem:s22+$0xE000]  }
0x54: {  	v9 =	vshll.u32 v9, $0x10;
	v19 =	vshrl.u32 v20, v19;
	v10 =	vadd.f32 v8, v10;
	v21 =	vld [tilespmem:s22+$0xE010]  }
0x55: {  	v4 =	vadd.f32 v9, v4;
	v8 =	vshll.u32 v19, $0x10;
	v9 =	vshrl.u32 v17, v16;
	v20 =	vld [tilespmem:s22+$0xE020]  }
0x56: {  	v2 =	vadd.f32 v8, v2;
	v8 =	vshll.u32 v9, $0x10;
	v9 =	vshrl.u32 v18, v15;
	v16 =	vld [tilespmem:s22+$0xE030]  }
0x57: {  	v9 =	vshll.u32 v9, $0x10;
	v24 =	vshrl.u32 v22, v14;
	v15 =	vld [tilespmem:s22+$0xE040];
	v17 =	vshra.s32 v27, $0x1  }
0x58: {  	v19 =	vand.u32 $0x7F, v27;
	v14 =	vshra.s32 v26, $0x1;
	v18 =	vld [tilespmem:s22+$0xE050];
	v17 =	vand.u32 $0xFFFFFF80, v17  }
0x59: {  	v14 =	vand.u32 $0xFFFFFF80, v14;
	v22 =	vshra.s32 v21, $0x1;
	v23 =	vld [tilespmem:s22+$0xE060];
	v17 =	vor.u32 v19, v17  }
0x5a: {  	v19 =	vand.u32 $0x7F, v26;
	v22 =	vand.u32 $0xFFFFFF80, v22;
	v25 =	vshra.s32 v20, $0x1;
	v28 =	vld.idx.msk [tilespmem:v7+s2+$0x0], $0xffff  }
0x5b: {  	v7 =	vand.u32 $0x7F, v21;
	v25 =	vand.u32 $0xFFFFFF80, v25;
	v29 =	vshra.s32 v16, $0x1;
	v30 =	vld.idx.msk [tilespmem:v6+s2+$0x0], $0xffff  }
0x5c: {  	v6 =	vand.u32 $0x7F, v20;
	v29 =	vand.u32 $0xFFFFFF80, v29;
	v31 =	vshra.s32 v15, $0x1  }
0x5d: {  	v32 =	vand.u32 $0x7F, v16;
	v31 =	vand.u32 $0xFFFFFF80, v31;
	v33 =	vshra.s32 v18, $0x1  }
0x5e: {  	v34 =	vand.u32 $0x7F, v15;
	v33 =	vand.u32 $0xFFFFFF80, v33;
	v35 =	vshra.s32 v23, $0x1;
	v17 =	vld.idx.msk [tilespmem:v17+s2+$0x0], $0xffff  }
0x5f: {  	v36 =	vand.u32 $0x7F, v18;
	v37 =	vand.u32 $0x7F, v23;
	v35 =	vand.u32 $0xFFFFFF80, v35  }
0x60: {  	v14 =	vor.u32 v19, v14;
	v19 =	vor.u32 v7, v22;
	v22 =	vor.u32 v6, v25  }
0x61: {  	v25 =	vor.u32 v32, v29;
	v29 =	vor.u32 v34, v31;
	v7 =	vor.u32 v36, v33  }
0x62: {  	v27 =	vshrl.u32 v27, $0x3;
	v26 =	vshrl.u32 v26, $0x3;
	v6 =	vor.u32 v37, v35  }
0x63: {  	v32 =	vshrl.u32 v20, $0x3;
	v20 =	vand.u32 $0x10, v27;
	v31 =	vshrl.u32 v21, $0x3  }
0x64: {  	v27 =	vshrl.u32 v16, $0x3;
	v33 =	vshrl.u32 v15, $0x3;
	v15 =	vshrl.u32 v17, v20  }
.Ltmp0:
0x65: {  	v34 =	vshrl.u32 v18, $0x3;
	v35 =	vshrl.u32 v23, $0x3;
	v21 =	vld.idx.msk [tilespmem:v14+s2+$0x0], $0xffff;
	v14 =	vshll.u32 v15, $0x10;
	(pc) =	sbr.rel @p0 .LBB2_2-.Ltmp0, $4  }
0x66: {  	v23 =	vand.u32 $0x10, v26;
	v20 =	vld.idx.msk [tilespmem:v19+s2+$0x0], $0xffff;
	v19 =	vand.u32 $0x10, v31;
	v1 =	vadd.f32 v14, v1  }
0x67: {  	v16 =	vand.u32 $0x10, v32;
	v15 =	vand.u32 $0x10, v27;
	v14 =	vand.u32 $0x10, v33;
	v17 =	vld.idx.msk [tilespmem:v22+s2+$0x0], $0xffff  }
0x68: {  	v27 =	vand.u32 $0x10, v35;
	v18 =	vld.idx.msk [tilespmem:v25+s2+$0x0], $0xffff;
	v25 =	vshrl.u32 v28, v5;
	v5 =	vand.u32 $0x10, v34  }
0x69: {  	v24 =	vshll.u32 v24, $0x10;
	s22 =	sshra.s32 s21, $0x2;
	s21 =	sadd.s32 $0x200, s21;
	v26 =	vshrl.u32 v30, v3;
	v3 =	vmovc v27;
	v22 =	vld.idx.msk [tilespmem:v29+s2+$0x0], $0xffff;
	v25 =	vshll.u32 v25, $0x10  }
0x6a: {  	v27 =	vld [tilespmem:s22+$0xE070]  }
0x6b: {  	v59 =	vld [tilespmem:s22+$0xE000]  }
0x6c: {  	v0 =	vadd.f32 v8, v0;
	v57 =	vadd.f32 v9, v11;
	v58 =	vshll.u32 v26, $0x10;
	v60 =	vld [tilespmem:s22+$0xE010]  }
0x6d: {  	v21 =	vshrl.u32 v21, v23;
	v12 =	vadd.f32 v24, v12;
	v13 =	vadd.f32 v25, v13;
	v61 =	vld [tilespmem:s22+$0xE020]  }
0x6e: {  	v62 =	vld [tilespmem:s22+$0xE030];
	v21 =	vshll.u32 v21, $0x10;
	v19 =	vshrl.u32 v20, v19;
	v9 =	vadd.f32 v58, v10  }
0x6f: {  	v63 =	vld [tilespmem:s22+$0xE040];
	v4 =	vadd.f32 v21, v4;
	v19 =	vshll.u32 v19, $0x10;
	v16 =	vshrl.u32 v17, v16  }
0x70: {  	v41 =	vld [tilespmem:s22+$0xE050];
	v2 =	vadd.f32 v19, v2;
	v16 =	vshll.u32 v16, $0x10;
	v15 =	vshrl.u32 v18, v15  }
0x71: {  	v44 =	vld [tilespmem:s22+$0xE060];
	v15 =	vshll.u32 v15, $0x10;
	v14 =	vshrl.u32 v22, v14;
	v0 =	vadd.f32 v16, v0  }
0x72: {  	v39 =	vshra.s32 v27, $0x1;
	v40 =	vshra.s32 v59, $0x1;
	v42 =	vand.u32 $0x7F, v27  }
0x73: {  	v43 =	vshra.s32 v60, $0x1;
	v45 =	vand.u32 $0x7F, v59;
	v46 =	vshra.s32 v61, $0x1  }
0x74: {  	v28 =	vand.u32 $0x7F, v60;
	v29 =	vshra.s32 v62, $0x1;
	v30 =	vand.u32 $0x7F, v61  }
0x75: {  	v31 =	vshra.s32 v63, $0x1;
	v32 =	vand.u32 $0x7F, v62;
	v33 =	vshra.s32 v41, $0x1  }
0x76: {  	v7 =	vld.idx.msk [tilespmem:v7+s2+$0x0], $0xffff;
	v34 =	vand.u32 $0x7F, v63;
	v35 =	vshra.s32 v44, $0x1;
	v36 =	vand.u32 $0x7F, v41  }
0x77: {  	v37 =	vand.u32 $0x7F, v44;
	v11 =	vshrl.u32 v59, $0x3;
	v27 =	vshrl.u32 v27, $0x3  }
0x78: {  	v6 =	vld.idx.msk [tilespmem:v6+s2+$0x0], $0xffff;
	v23 =	vshrl.u32 v60, $0x3;
	v10 =	vshrl.u32 v61, $0x3;
	v17 =	vshrl.u32 v62, $0x3  }
0x79: {  	v18 =	vshrl.u32 v63, $0x3;
	v21 =	vshrl.u32 v41, $0x3;
	v20 =	vand.u32 $0xFFFFFF80, v40  }
0x7a: {  	v25 =	vshrl.u32 v44, $0x3;
	v24 =	vand.u32 $0xFFFFFF80, v43;
	v20 =	vor.u32 v45, v20  }
0x7b: {  	v5 =	vshrl.u32 v7, v5;
	v26 =	vand.u32 $0xFFFFFF80, v46;
	v47 =	vor.u32 v28, v24  }
0x7c: {  	v14 =	vshll.u32 v14, $0x10;
	v29 =	vand.u32 $0xFFFFFF80, v29;
	v48 =	vor.u32 v30, v26  }
0x7d: {  	v3 =	vshrl.u32 v6, v3;
	v31 =	vand.u32 $0xFFFFFF80, v31;
	v49 =	vor.u32 v32, v29  }
0x7e: {  	v8 =	vadd.f32 v15, v57;
	v33 =	vand.u32 $0xFFFFFF80, v33;
	v50 =	vor.u32 v34, v31  }
0x7f: {  	v19 =	vand.u32 $0xFFFFFF80, v39;
	v35 =	vand.u32 $0xFFFFFF80, v35;
	v51 =	vor.u32 v36, v33;
	v20 =	vld.idx.msk [tilespmem:v20+s2+$0x0], $0xffff  }
0x80: {  	v27 =	vand.u32 $0x10, v27;
	v11 =	vand.u32 $0x10, v11;
	v52 =	vor.u32 v37, v35;
	v22 =	vld.idx.msk [tilespmem:v47+s2+$0x0], $0xffff  }
0x81: {  	v23 =	vand.u32 $0x10, v23;
	v10 =	vand.u32 $0x10, v10;
	v19 =	vor.u32 v42, v19;
	v24 =	vld.idx.msk [tilespmem:v48+s2+$0x0], $0xffff  }
0x82: {  	v17 =	vand.u32 $0x10, v17;
	v18 =	vand.u32 $0x10, v18;
	v21 =	vand.u32 $0x10, v21;
	v53 =	vld.idx.msk [tilespmem:v49+s2+$0x0], $0xffff  }
0x83: {  	v25 =	vand.u32 $0x10, v25;
	v5 =	vshll.u32 v5, $0x10;
	v3 =	vshll.u32 v3, $0x10;
	v54 =	vld.idx.msk [tilespmem:v50+s2+$0x0], $0xffff  }
0x84: {  	v12 =	vadd.f32 v14, v12;
	v5 =	vadd.f32 v5, v13;
	v55 =	vld.idx.msk [tilespmem:v51+s2+$0x0], $0xffff;
	v11 =	vshrl.u32 v20, v11  }
0x85: {  	v3 =	vadd.f32 v3, v9;
	v57 =	vld.idx.msk [tilespmem:v52+s2+$0x0], $0xffff;
	v56 =	vshrl.u32 v22, v23;
	v11 =	vshll.u32 v11, $0x10  }
0x86: {  	v58 =	vld.idx.msk [tilespmem:v19+s2+$0x0], $0xffff;
	v10 =	vshrl.u32 v24, v10;
	v59 =	vshll.u32 v56, $0x10;
	v4 =	vadd.f32 v11, v4  }
0x87: {  	v7 =	vshrl.u32 v53, v17;
	v10 =	vshll.u32 v10, $0x10;
	v2 =	vadd.f32 v59, v2  }
0x88: {  	v6 =	vshrl.u32 v54, v18;
	v7 =	vshll.u32 v7, $0x10;
	v0 =	vadd.f32 v10, v0;
	[tilespmem:$0x14400] =	vst v4  }
0x89: {  	v60 =	vshrl.u32 v55, v21;
	v6 =	vshll.u32 v6, $0x10;
	v7 =	vadd.f32 v7, v8;
	[tilespmem:$0x14410] =	vst v2  }
0x8a: {  	v62 =	vshrl.u32 v57, v25;
	v61 =	vshll.u32 v60, $0x10;
	v6 =	vadd.f32 v6, v12;
	[tilespmem:$0x14420] =	vst v0  }
0x8b: {  	v63 =	vshrl.u32 v58, v27;
	v4 =	vshll.u32 v62, $0x10;
	v2 =	vadd.f32 v61, v5;
	[tilespmem:$0x14430] =	vst v7  }
0x8c: {  	v0 =	vshll.u32 v63, $0x10;
	[tilespmem:$0x14440] =	vst v6;
	v3 =	vadd.f32 v4, v3  }
0x8d: {  	s20 =	sadd.s32 $0x1, s20;
	v0 =	vadd.f32 v0, v1;
	[tilespmem:$0x14450] =	vst v2  }
0x8e: {  	p0 =	sne.s32 s20, s8;
	[tilespmem:$0x14460] =	vst v3  }
.Ltmp1:
0x8f: {  	[tilespmem:$0x14470] =	vst v0;
	(pc) =	sbr.rel @p0 .LBB2_1-.Ltmp1, $4  }
0x90: {  	[hbm4b:s7+s2] =	stream.linear.scatter [tilespmem:s18], [sflag:$0x5], $0x80, $0x38;
	[tilespmem:$0x14480] =	vst v63  }
0x91: {  	_ =	swait.ge [sflag:s19], $0x80  }
0x92: {  	[sflag:s19] =	ssyncset.done $0x0  }
0x93: {  	[sflag:s19] =	ssyncadd.s32 $0xFFFFFF80  }
0x94: {  	_ =	sfence.sel $0x180000  }
0x95: {  	[bflag:$0x0] =	sbarrier.arrive $0xFFFF  }
0x96: {  	p0 =	sne.s32 s1, $0x0;
	_ =	strace $0x90000047  }
0x97: {  	s0 =	sadd.s32 @!p0 $0x100000, s0;
	[bflag:$0x2] =	sbarrier.arrive $0xFFFF  }
0x98: {  	[sflag:s0] =	ssyncadd.tile.s32 @!p0 $0x1;
	_ =	shalt  }
.Lfunc_end2:
_tile_overlayer_lowered:
.L_overlay_start_2:
0x99: {  	(tag) =	ssettag $0x2  }
0x9a: {  	s0 =	rddreg [dreg:$0x0];
	s2 =	stileid.u32  }
0x9b: {  	s1 =	rddreg [dreg:$0x1];
	p0 =	sne.s32 s2, $0x0  }
0x9c: {  	s3 =	rddreg [dreg:$0x2];
	[bflag:$0x3] =	sbarrier.arrive $0xFFFF;
	s2 =	simm.s32 @!p0 $0x1C05  }
0x9d: {  	[timem:s3], [sflag:s2] =	dma.local @!p0 [hbm:s0], s1  }
0x9e: {  	s0 =	simm.s32 @!p0 $0x5  }
0x9f: {  	_ =	swait.ge @!p0 [sflag:s0], s1  }
0xa0: {  	s1 =	ssub.s32 @!p0 $0x0, s1;
	[sflag:s0] =	ssyncset.done @!p0 $0x0  }
0xa1: {  	[sflag:s0] =	ssyncadd.s32 @!p0 s1  }
0xa2: {  	[bflag:$0x3] =	sbarrier.arrive $0xFFFF  }
0xa3: {  	_ =	shalt  }

</sc_bundles>
